<compile_context>
chip_gen: v7x
topology: tpu7x:2x2x1
jax: 0.10.2.dev20260603
libtpu: 0.0.44.dev20260713+nightly
codegen_flags: <defaults>
</compile_context>

<pallas_src>
import functools

import jax
import jax.numpy as jnp
from jax import lax
from jax.experimental import pallas as pl
from jax.experimental.pallas import tpu as pltpu
from jax.experimental.pallas import tpu_sc as plsc

_info = plsc.get_sparse_core_info()
_NC, _NS = _info.num_cores, _info.num_subcores
_NW = _NC * _NS


@functools.lru_cache(maxsize=None)
def _make_gather(n_b, n_l, n_table, d_model, nbuf):
    assert n_b % _NW == 0
    rows_pw = n_b // _NW
    n_chunks = rows_pw
    assert n_chunks >= nbuf and n_chunks % nbuf == 0

    mesh = plsc.VectorSubcoreMesh(core_axis_name="c", subcore_axis_name="s")

    @functools.partial(
        pl.kernel,
        out_type=jax.ShapeDtypeStruct((n_b, n_l, d_model), jnp.float32),
        mesh=mesh,
        scratch_types=[
            pltpu.VMEM((rows_pw, n_l), jnp.int32),
            pltpu.VMEM((nbuf, n_l, d_model), jnp.float32),
            pltpu.VMEM_SHARED((n_table, d_model), jnp.float32),
            [pltpu.SemaphoreType.DMA] * nbuf,
            [pltpu.SemaphoreType.DMA] * nbuf,
        ],
        compiler_params=pltpu.CompilerParams(use_tc_tiling_on_sc=False),
    )
    def gather(idx_hbm, table_hbm, out_hbm, idx_v, rows_v, tab_sh,
               gsems, ssems):
        sid = lax.axis_index("s")
        wid = sid * _NC + lax.axis_index("c")
        base = wid * rows_pw

        @pl.when(sid == 0)
        def _stage_table():
            pltpu.sync_copy(table_hbm, tab_sh)

        plsc.subcore_barrier()

        def start_gather(g, b):
            pltpu.async_copy(tab_sh.at[idx_v.at[g]], rows_v.at[b], gsems[b])

        def wait_gather(b):
            pltpu.make_async_copy(tab_sh.at[idx_v.at[0]], rows_v.at[b],
                                  gsems[b]).wait()

        def start_store(g, b):
            pltpu.async_copy(rows_v.at[b], out_hbm.at[base + g], ssems[b])

        def wait_store(b):
            pltpu.make_async_copy(rows_v.at[b], out_hbm.at[base],
                                  ssems[b]).wait()

        pltpu.sync_copy(idx_hbm.at[pl.ds(base, rows_pw)], idx_v)
        for b in range(nbuf - 1):
            start_gather(b, b)

        def step(gg, carry):
            for b in range(nbuf):
                g = gg * nbuf + b
                nb = (b + nbuf - 1) % nbuf

                @pl.when(g + nbuf - 1 < n_chunks)
                def _prefetch():
                    @pl.when(g >= 1)
                    def _reclaim():
                        wait_store(nb)

                    start_gather(g + nbuf - 1, nb)

                wait_gather(b)
                start_store(g, b)
            return carry

        lax.fori_loop(0, n_chunks // nbuf, step, 0)
        for b in range(nbuf):
            wait_store(b)

    return gather


def kernel(indices, pe):
    b, l = indices.shape
    n_table, d_model = pe.shape
    return _make_gather(b, l, n_table, d_model, 4)(indices, pe)

# --- scband reference (transcript-rebuilt; emitter-appended) ---
"""Pipeline reference for scband-positional-encoding-3607772529001 (READ-ONLY COPY).

The authoritative reference and input builder live on the scoring server;
editing this copy changes nothing except your own understanding.
"""

import jax, jax.numpy as jnp
import numpy as np

D_MODEL = 64
MAX_LEN = 8192
B, L = 4096, 200

def _make_pe(max_len, d_model):
    position = np.arange(max_len, dtype=np.float32)[:, None]
    div_term = np.exp(np.arange(0, d_model, 2, dtype=np.float32) * -(np.log(10000.0) / d_model))
    pe = np.zeros((max_len, d_model), dtype=np.float32)
    pe[:, 0::2] = np.sin(position * div_term)
    pe[:, 1::2] = np.cos(position * div_term)
    return jnp.asarray(pe)

def setup_inputs(seed: int = 0) -> dict:
    key = jax.random.key(seed)
    indices = jax.random.randint(key, (B, L), 0, MAX_LEN, dtype=jnp.int32)
    pe = _make_pe(MAX_LEN, D_MODEL)
    return {"indices": indices, "pe": pe}

def reference(indices, pe):
    b, l = indices.shape
    flat = indices.reshape(-1)
    out = jnp.take(pe, flat, axis=0)
    return out.reshape(b, l, -1)

if __name__ == "__main__":
    import jax
    _d = setup_inputs()
    print(jax.jit(kernel)(*tuple(_d.values())))

</pallas_src>

<mosaic_0001>
#map = affine_map<(d0, d1) -> (0, 0)>
#map1 = affine_map<(d0, d1) -> (0, 0, 0)>
module attributes {stable_mosaic.version = 14 : i64} {
  func.func @gather(%arg0: i32, %arg1: i32, %arg2: memref<4096x200xi32, #tpu.memory_space<hbm>>, %arg3: memref<8192x64xf32, #tpu.memory_space<hbm>>, %arg4: memref<4096x200x64xf32, #tpu.memory_space<hbm>>, %arg5: memref<128x200xi32, #tpu.memory_space<vmem>>, %arg6: memref<4x200x64xf32, #tpu.memory_space<vmem>>, %arg7: memref<8192x64xf32, #tpu.memory_space<vmem_shared>>, %arg8: memref<!tpu.dma_semaphore, #tpu.memory_space<semaphore_mem>>, %arg9: memref<!tpu.dma_semaphore, #tpu.memory_space<semaphore_mem>>, %arg10: memref<!tpu.dma_semaphore, #tpu.memory_space<semaphore_mem>>, %arg11: memref<!tpu.dma_semaphore, #tpu.memory_space<semaphore_mem>>, %arg12: memref<!tpu.dma_semaphore, #tpu.memory_space<semaphore_mem>>, %arg13: memref<!tpu.dma_semaphore, #tpu.memory_space<semaphore_mem>>, %arg14: memref<!tpu.dma_semaphore, #tpu.memory_space<semaphore_mem>>, %arg15: memref<!tpu.dma_semaphore, #tpu.memory_space<semaphore_mem>>) attributes {dimension_semantics = [#tpu.dimension_semantics<core_parallel>, #tpu.dimension_semantics<subcore_parallel>], iteration_bounds = array<i64: 2, 16>, scalar_prefetch = 0 : i64, scratch_operands = 11 : i64, tpu.core_type = #tpu.core_type<sc_vector_subcore>, window_params = [{transform_indices = #map}, {transform_indices = #map}, {transform_indices = #map1}]} {
    %mul3A = arith.constant 2 : i32
    %mul3A_0 = arith.muli %arg1, %mul3A : i32
    %add3A = arith.addi %mul3A_0, %arg0 : i32
    %mul3A_1 = arith.constant 128 : i32
    %mul3A_2 = arith.muli %add3A, %mul3A_1 : i32
    %eq3A = arith.constant 0 : i32
    %eq3A_3 = arith.cmpi eq, %arg1, %eq3A : i32
    %convert_element_type3A = arith.extui %eq3A_3 : i1 to i32
    %cond3A = arith.constant 0 : i32
    %cond3A_4 = arith.cmpi ne, %convert_element_type3A, %cond3A : i32
    scf.if %cond3A_4 {
      "tpu.region"() ({
        %run_scoped3A = tpu.sem_alloc : memref<!tpu.dma_semaphore, #tpu.memory_space<semaphore_mem>>
        tpu.enqueue_dma source(%arg3 : memref<8192x64xf32, #tpu.memory_space<hbm>>) target(%arg7 : memref<8192x64xf32, #tpu.memory_space<vmem_shared>>) target_semaphore(%run_scoped3A : memref<!tpu.dma_semaphore, #tpu.memory_space<semaphore_mem>>)
        tpu.wait_dma2 semaphore(%run_scoped3A : memref<!tpu.dma_semaphore, #tpu.memory_space<semaphore_mem>>) src(%arg3 : memref<8192x64xf32, #tpu.memory_space<hbm>>) dst(%arg7 : memref<8192x64xf32, #tpu.memory_space<vmem_shared>>)
        tpu.yield
      }) : () -> ()
    } else {
    }
    %barrier3A = arith.constant 0 : index
    tpu.barrier barrier_id(%barrier3A)
    "tpu.region"() ({
      %run_scoped3A = tpu.sem_alloc : memref<!tpu.dma_semaphore, #tpu.memory_space<semaphore_mem>>
      %dma_start3A_112 = arith.constant 0 : i32
      %dma_start3A_113 = tpu.memref_slice %arg2[%mul3A_2, %dma_start3A_112] : memref<4096x200xi32, #tpu.memory_space<hbm>> -> memref<128x200xi32, #tpu.memory_space<hbm>>
      %dma_start3A_114 = arith.constant 0 : i32
      %dma_start3A_115 = tpu.memref_slice %arg2[%mul3A_2, %dma_start3A_114] : memref<4096x200xi32, #tpu.memory_space<hbm>> -> memref<128x200xi32, #tpu.memory_space<hbm>>
      tpu.enqueue_dma source(%dma_start3A_115 : memref<128x200xi32, #tpu.memory_space<hbm>>) target(%arg5 : memref<128x200xi32, #tpu.memory_space<vmem>>) target_semaphore(%run_scoped3A : memref<!tpu.dma_semaphore, #tpu.memory_space<semaphore_mem>>)
      %dma_wait3A_116 = arith.constant 0 : i32
      %dma_wait3A_117 = tpu.memref_slice %arg2[%mul3A_2, %dma_wait3A_116] : memref<4096x200xi32, #tpu.memory_space<hbm>> -> memref<128x200xi32, #tpu.memory_space<hbm>>
      %dma_wait3A_118 = arith.constant 0 : i32
      %dma_wait3A_119 = tpu.memref_slice %arg2[%mul3A_2, %dma_wait3A_118] : memref<4096x200xi32, #tpu.memory_space<hbm>> -> memref<128x200xi32, #tpu.memory_space<hbm>>
      tpu.wait_dma2 semaphore(%run_scoped3A : memref<!tpu.dma_semaphore, #tpu.memory_space<semaphore_mem>>) src(%dma_wait3A_119 : memref<128x200xi32, #tpu.memory_space<hbm>>) dst(%arg5 : memref<128x200xi32, #tpu.memory_space<vmem>>)
      tpu.yield
    }) : () -> ()
    %dma_start3A = arith.constant 0 : i32
    %dma_start3A_5 = arith.constant 0 : i32
    %dma_start3A_6 = arith.constant 0 : i32
    %dma_start3A_7 = arith.constant 0 : i32
    %dma_start3A_8 = tpu.memref_slice %arg6[%dma_start3A_5, %dma_start3A_6, %dma_start3A_7] : memref<4x200x64xf32, #tpu.memory_space<vmem>> -> memref<1x200x64xf32, #tpu.memory_space<vmem>>
    %dma_start3A_9 = tpu.memref_squeeze %dma_start3A_8 : memref<1x200x64xf32, #tpu.memory_space<vmem>> -> memref<200x64xf32, #tpu.memory_space<vmem>>
    %dma_start3A_10 = arith.constant 0 : i32
    %dma_start3A_11 = tpu.memref_slice %arg5[%dma_start3A, %dma_start3A_10] : memref<128x200xi32, #tpu.memory_space<vmem>> -> memref<1x200xi32, #tpu.memory_space<vmem>>
    %dma_start3A_12 = tpu.memref_squeeze %dma_start3A_11 : memref<1x200xi32, #tpu.memory_space<vmem>> -> memref<200xi32, #tpu.memory_space<vmem>>
    %dma_start3A_13 = arith.constant 0 : i32
    %dma_start3A_14 = arith.constant 0 : i32
    %dma_start3A_15 = tpu.memref_slice %arg7[%dma_start3A_13, %dma_start3A_14] : memref<8192x64xf32, #tpu.memory_space<vmem_shared>> -> memref<8192x64xf32, #tpu.memory_space<vmem_shared>>
    tpu.enqueue_indirect_dma source(%dma_start3A_15 : memref<8192x64xf32, #tpu.memory_space<vmem_shared>>) target(%dma_start3A_9 : memref<200x64xf32, #tpu.memory_space<vmem>>) offsets(%dma_start3A_12 : memref<200xi32, #tpu.memory_space<vmem>>) semaphore(%arg8 : memref<!tpu.dma_semaphore, #tpu.memory_space<semaphore_mem>>)
    %dma_start3A_16 = arith.constant 1 : i32
    %dma_start3A_17 = arith.constant 1 : i32
    %dma_start3A_18 = arith.constant 0 : i32
    %dma_start3A_19 = arith.constant 0 : i32
    %dma_start3A_20 = tpu.memref_slice %arg6[%dma_start3A_17, %dma_start3A_18, %dma_start3A_19] : memref<4x200x64xf32, #tpu.memory_space<vmem>> -> memref<1x200x64xf32, #tpu.memory_space<vmem>>
    %dma_start3A_21 = tpu.memref_squeeze %dma_start3A_20 : memref<1x200x64xf32, #tpu.memory_space<vmem>> -> memref<200x64xf32, #tpu.memory_space<vmem>>
    %dma_start3A_22 = arith.constant 0 : i32
    %dma_start3A_23 = tpu.memref_slice %arg5[%dma_start3A_16, %dma_start3A_22] : memref<128x200xi32, #tpu.memory_space<vmem>> -> memref<1x200xi32, #tpu.memory_space<vmem>>
    %dma_start3A_24 = tpu.memref_squeeze %dma_start3A_23 : memref<1x200xi32, #tpu.memory_space<vmem>> -> memref<200xi32, #tpu.memory_space<vmem>>
    %dma_start3A_25 = arith.constant 0 : i32
    %dma_start3A_26 = arith.constant 0 : i32
    %dma_start3A_27 = tpu.memref_slice %arg7[%dma_start3A_25, %dma_start3A_26] : memref<8192x64xf32, #tpu.memory_space<vmem_shared>> -> memref<8192x64xf32, #tpu.memory_space<vmem_shared>>
    tpu.enqueue_indirect_dma source(%dma_start3A_27 : memref<8192x64xf32, #tpu.memory_space<vmem_shared>>) target(%dma_start3A_21 : memref<200x64xf32, #tpu.memory_space<vmem>>) offsets(%dma_start3A_24 : memref<200xi32, #tpu.memory_space<vmem>>) semaphore(%arg9 : memref<!tpu.dma_semaphore, #tpu.memory_space<semaphore_mem>>)
    %dma_start3A_28 = arith.constant 2 : i32
    %dma_start3A_29 = arith.constant 2 : i32
    %dma_start3A_30 = arith.constant 0 : i32
    %dma_start3A_31 = arith.constant 0 : i32
    %dma_start3A_32 = tpu.memref_slice %arg6[%dma_start3A_29, %dma_start3A_30, %dma_start3A_31] : memref<4x200x64xf32, #tpu.memory_space<vmem>> -> memref<1x200x64xf32, #tpu.memory_space<vmem>>
    %dma_start3A_33 = tpu.memref_squeeze %dma_start3A_32 : memref<1x200x64xf32, #tpu.memory_space<vmem>> -> memref<200x64xf32, #tpu.memory_space<vmem>>
    %dma_start3A_34 = arith.constant 0 : i32
    %dma_start3A_35 = tpu.memref_slice %arg5[%dma_start3A_28, %dma_start3A_34] : memref<128x200xi32, #tpu.memory_space<vmem>> -> memref<1x200xi32, #tpu.memory_space<vmem>>
    %dma_start3A_36 = tpu.memref_squeeze %dma_start3A_35 : memref<1x200xi32, #tpu.memory_space<vmem>> -> memref<200xi32, #tpu.memory_space<vmem>>
    %dma_start3A_37 = arith.constant 0 : i32
    %dma_start3A_38 = arith.constant 0 : i32
    %dma_start3A_39 = tpu.memref_slice %arg7[%dma_start3A_37, %dma_start3A_38] : memref<8192x64xf32, #tpu.memory_space<vmem_shared>> -> memref<8192x64xf32, #tpu.memory_space<vmem_shared>>
    tpu.enqueue_indirect_dma source(%dma_start3A_39 : memref<8192x64xf32, #tpu.memory_space<vmem_shared>>) target(%dma_start3A_33 : memref<200x64xf32, #tpu.memory_space<vmem>>) offsets(%dma_start3A_36 : memref<200xi32, #tpu.memory_space<vmem>>) semaphore(%arg10 : memref<!tpu.dma_semaphore, #tpu.memory_space<semaphore_mem>>)
    %scan3A = arith.constant 0 : i32
    %scan3A_40 = arith.constant 0 : i32
    %scan3A_41 = arith.constant 32 : i32
    %scan3A_42 = arith.addi %scan3A_40, %scan3A_41 : i32
    %scan3A_43 = arith.constant 1 : i32
    scf.for %scan3A_112 = %scan3A_40 to %scan3A_42 step %scan3A_43  : i32 {
      %mul3A_113 = arith.constant 4 : i32
      %mul3A_114 = arith.muli %scan3A_112, %mul3A_113 : i32
      %add3A_115 = arith.constant 0 : i32
      %add3A_116 = arith.addi %mul3A_114, %add3A_115 : i32
      %add3A_117 = arith.constant 4 : i32
      %add3A_118 = arith.addi %add3A_116, %add3A_117 : i32
      %sub3A = arith.constant 1 : i32
      %sub3A_119 = arith.subi %add3A_118, %sub3A : i32
      %lt3A = arith.constant 128 : i32
      %lt3A_120 = arith.cmpi slt, %sub3A_119, %lt3A : i32
      %convert_element_type3A_121 = arith.extui %lt3A_120 : i1 to i32
      %cond3A_122 = arith.constant 0 : i32
      %cond3A_123 = arith.cmpi ne, %convert_element_type3A_121, %cond3A_122 : i32
      scf.if %cond3A_123 {
        %ge3A = arith.constant 1 : i32
        %ge3A_283 = arith.cmpi sge, %add3A_116, %ge3A : i32
        %convert_element_type3A_284 = arith.extui %ge3A_283 : i1 to i32
        %cond3A_285 = arith.constant 0 : i32
        %cond3A_286 = arith.cmpi ne, %convert_element_type3A_284, %cond3A_285 : i32
        scf.if %cond3A_286 {
          %dma_wait3A_302 = arith.constant 3 : i32
          %dma_wait3A_303 = arith.constant 0 : i32
          %dma_wait3A_304 = arith.constant 0 : i32
          %dma_wait3A_305 = tpu.memref_slice %arg6[%dma_wait3A_302, %dma_wait3A_303, %dma_wait3A_304] : memref<4x200x64xf32, #tpu.memory_space<vmem>> -> memref<1x200x64xf32, #tpu.memory_space<vmem>>
          %dma_wait3A_306 = tpu.memref_squeeze %dma_wait3A_305 : memref<1x200x64xf32, #tpu.memory_space<vmem>> -> memref<200x64xf32, #tpu.memory_space<vmem>>
          %dma_wait3A_307 = arith.constant 0 : i32
          %dma_wait3A_308 = arith.constant 0 : i32
          %dma_wait3A_309 = tpu.memref_slice %arg4[%mul3A_2, %dma_wait3A_307, %dma_wait3A_308] : memref<4096x200x64xf32, #tpu.memory_space<hbm>> -> memref<1x200x64xf32, #tpu.memory_space<hbm>>
          %dma_wait3A_310 = tpu.memref_squeeze %dma_wait3A_309 : memref<1x200x64xf32, #tpu.memory_space<hbm>> -> memref<200x64xf32, #tpu.memory_space<hbm>>
          %dma_wait3A_311 = arith.constant 0 : i32
          %dma_wait3A_312 = arith.constant 0 : i32
          %dma_wait3A_313 = tpu.memref_slice %arg4[%mul3A_2, %dma_wait3A_311, %dma_wait3A_312] : memref<4096x200x64xf32, #tpu.memory_space<hbm>> -> memref<1x200x64xf32, #tpu.memory_space<hbm>>
          %dma_wait3A_314 = tpu.memref_squeeze %dma_wait3A_313 : memref<1x200x64xf32, #tpu.memory_space<hbm>> -> memref<200x64xf32, #tpu.memory_space<hbm>>
          %dma_wait3A_315 = arith.constant 0 : i32
          %dma_wait3A_316 = arith.constant 0 : i32
          %dma_wait3A_317 = tpu.memref_slice %arg6[%dma_wait3A_302, %dma_wait3A_315, %dma_wait3A_316] : memref<4x200x64xf32, #tpu.memory_space<vmem>> -> memref<1x200x64xf32, #tpu.memory_space<vmem>>
          %dma_wait3A_318 = tpu.memref_squeeze %dma_wait3A_317 : memref<1x200x64xf32, #tpu.memory_space<vmem>> -> memref<200x64xf32, #tpu.memory_space<vmem>>
          tpu.wait_dma2 semaphore(%arg15 : memref<!tpu.dma_semaphore, #tpu.memory_space<semaphore_mem>>) src(%dma_wait3A_318 : memref<200x64xf32, #tpu.memory_space<vmem>>) dst(%dma_wait3A_314 : memref<200x64xf32, #tpu.memory_space<hbm>>)
        } else {
        }
        %add3A_287 = arith.constant 4 : i32
        %add3A_288 = arith.addi %add3A_116, %add3A_287 : i32
        %sub3A_289 = arith.constant 1 : i32
        %sub3A_290 = arith.subi %add3A_288, %sub3A_289 : i32
        %dma_start3A_291 = arith.constant 3 : i32
        %dma_start3A_292 = arith.constant 0 : i32
        %dma_start3A_293 = arith.constant 0 : i32
        %dma_start3A_294 = tpu.memref_slice %arg6[%dma_start3A_291, %dma_start3A_292, %dma_start3A_293] : memref<4x200x64xf32, #tpu.memory_space<vmem>> -> memref<1x200x64xf32, #tpu.memory_space<vmem>>
        %dma_start3A_295 = tpu.memref_squeeze %dma_start3A_294 : memref<1x200x64xf32, #tpu.memory_space<vmem>> -> memref<200x64xf32, #tpu.memory_space<vmem>>
        %dma_start3A_296 = arith.constant 0 : i32
        %dma_start3A_297 = tpu.memref_slice %arg5[%sub3A_290, %dma_start3A_296] : memref<128x200xi32, #tpu.memory_space<vmem>> -> memref<1x200xi32, #tpu.memory_space<vmem>>
        %dma_start3A_298 = tpu.memref_squeeze %dma_start3A_297 : memref<1x200xi32, #tpu.memory_space<vmem>> -> memref<200xi32, #tpu.memory_space<vmem>>
        %dma_start3A_299 = arith.constant 0 : i32
        %dma_start3A_300 = arith.constant 0 : i32
        %dma_start3A_301 = tpu.memref_slice %arg7[%dma_start3A_299, %dma_start3A_300] : memref<8192x64xf32, #tpu.memory_space<vmem_shared>> -> memref<8192x64xf32, #tpu.memory_space<vmem_shared>>
        tpu.enqueue_indirect_dma source(%dma_start3A_301 : memref<8192x64xf32, #tpu.memory_space<vmem_shared>>) target(%dma_start3A_295 : memref<200x64xf32, #tpu.memory_space<vmem>>) offsets(%dma_start3A_298 : memref<200xi32, #tpu.memory_space<vmem>>) semaphore(%arg11 : memref<!tpu.dma_semaphore, #tpu.memory_space<semaphore_mem>>)
      } else {
      }
      %dma_wait3A_124 = arith.constant 0 : i32
      %dma_wait3A_125 = arith.constant 0 : i32
      %dma_wait3A_126 = arith.constant 0 : i32
      %dma_wait3A_127 = arith.constant 0 : i32
      %dma_wait3A_128 = tpu.memref_slice %arg6[%dma_wait3A_125, %dma_wait3A_126, %dma_wait3A_127] : memref<4x200x64xf32, #tpu.memory_space<vmem>> -> memref<1x200x64xf32, #tpu.memory_space<vmem>>
      %dma_wait3A_129 = tpu.memref_squeeze %dma_wait3A_128 : memref<1x200x64xf32, #tpu.memory_space<vmem>> -> memref<200x64xf32, #tpu.memory_space<vmem>>
      %dma_wait3A_130 = arith.constant 0 : i32
      %dma_wait3A_131 = tpu.memref_slice %arg5[%dma_wait3A_124, %dma_wait3A_130] : memref<128x200xi32, #tpu.memory_space<vmem>> -> memref<1x200xi32, #tpu.memory_space<vmem>>
      %dma_wait3A_132 = tpu.memref_squeeze %dma_wait3A_131 : memref<1x200xi32, #tpu.memory_space<vmem>> -> memref<200xi32, #tpu.memory_space<vmem>>
      %dma_wait3A_133 = arith.constant 0 : i32
      %dma_wait3A_134 = arith.constant 0 : i32
      %dma_wait3A_135 = tpu.memref_slice %arg7[%dma_wait3A_133, %dma_wait3A_134] : memref<8192x64xf32, #tpu.memory_space<vmem_shared>> -> memref<8192x64xf32, #tpu.memory_space<vmem_shared>>
      tpu.wait_indirect_dma semaphore(%arg8 : memref<!tpu.dma_semaphore, #tpu.memory_space<semaphore_mem>>) src(%dma_wait3A_135 : memref<8192x64xf32, #tpu.memory_space<vmem_shared>>) dst(%dma_wait3A_129 : memref<200x64xf32, #tpu.memory_space<vmem>>)
      %add3A_136 = arith.addi %mul3A_2, %add3A_116 : i32
      %dma_start3A_137 = arith.constant 0 : i32
      %dma_start3A_138 = arith.constant 0 : i32
      %dma_start3A_139 = arith.constant 0 : i32
      %dma_start3A_140 = tpu.memref_slice %arg6[%dma_start3A_137, %dma_start3A_138, %dma_start3A_139] : memref<4x200x64xf32, #tpu.memory_space<vmem>> -> memref<1x200x64xf32, #tpu.memory_space<vmem>>
      %dma_start3A_141 = tpu.memref_squeeze %dma_start3A_140 : memref<1x200x64xf32, #tpu.memory_space<vmem>> -> memref<200x64xf32, #tpu.memory_space<vmem>>
      %dma_start3A_142 = arith.constant 0 : i32
      %dma_start3A_143 = arith.constant 0 : i32
      %dma_start3A_144 = tpu.memref_slice %arg4[%add3A_136, %dma_start3A_142, %dma_start3A_143] : memref<4096x200x64xf32, #tpu.memory_space<hbm>> -> memref<1x200x64xf32, #tpu.memory_space<hbm>>
      %dma_start3A_145 = tpu.memref_squeeze %dma_start3A_144 : memref<1x200x64xf32, #tpu.memory_space<hbm>> -> memref<200x64xf32, #tpu.memory_space<hbm>>
      %dma_start3A_146 = arith.constant 0 : i32
      %dma_start3A_147 = arith.constant 0 : i32
      %dma_start3A_148 = tpu.memref_slice %arg4[%add3A_136, %dma_start3A_146, %dma_start3A_147] : memref<4096x200x64xf32, #tpu.memory_space<hbm>> -> memref<1x200x64xf32, #tpu.memory_space<hbm>>
      %dma_start3A_149 = tpu.memref_squeeze %dma_start3A_148 : memref<1x200x64xf32, #tpu.memory_space<hbm>> -> memref<200x64xf32, #tpu.memory_space<hbm>>
      %dma_start3A_150 = arith.constant 0 : i32
      %dma_start3A_151 = arith.constant 0 : i32
      %dma_start3A_152 = tpu.memref_slice %arg6[%dma_start3A_137, %dma_start3A_150, %dma_start3A_151] : memref<4x200x64xf32, #tpu.memory_space<vmem>> -> memref<1x200x64xf32, #tpu.memory_space<vmem>>
      %dma_start3A_153 = tpu.memref_squeeze %dma_start3A_152 : memref<1x200x64xf32, #tpu.memory_space<vmem>> -> memref<200x64xf32, #tpu.memory_space<vmem>>
      tpu.enqueue_dma source(%dma_start3A_153 : memref<200x64xf32, #tpu.memory_space<vmem>>) target(%dma_start3A_149 : memref<200x64xf32, #tpu.memory_space<hbm>>) target_semaphore(%arg12 : memref<!tpu.dma_semaphore, #tpu.memory_space<semaphore_mem>>)
      %mul3A_154 = arith.constant 4 : i32
      %mul3A_155 = arith.muli %scan3A_112, %mul3A_154 : i32
      %add3A_156 = arith.constant 1 : i32
      %add3A_157 = arith.addi %mul3A_155, %add3A_156 : i32
      %add3A_158 = arith.constant 4 : i32
      %add3A_159 = arith.addi %add3A_157, %add3A_158 : i32
      %sub3A_160 = arith.constant 1 : i32
      %sub3A_161 = arith.subi %add3A_159, %sub3A_160 : i32
      %lt3A_162 = arith.constant 128 : i32
      %lt3A_163 = arith.cmpi slt, %sub3A_161, %lt3A_162 : i32
      %convert_element_type3A_164 = arith.extui %lt3A_163 : i1 to i32
      %cond3A_165 = arith.constant 0 : i32
      %cond3A_166 = arith.cmpi ne, %convert_element_type3A_164, %cond3A_165 : i32
      scf.if %cond3A_166 {
        %ge3A = arith.constant 1 : i32
        %ge3A_283 = arith.cmpi sge, %add3A_157, %ge3A : i32
        %convert_element_type3A_284 = arith.extui %ge3A_283 : i1 to i32
        %cond3A_285 = arith.constant 0 : i32
        %cond3A_286 = arith.cmpi ne, %convert_element_type3A_284, %cond3A_285 : i32
        scf.if %cond3A_286 {
          %dma_wait3A_302 = arith.constant 0 : i32
          %dma_wait3A_303 = arith.constant 0 : i32
          %dma_wait3A_304 = arith.constant 0 : i32
          %dma_wait3A_305 = tpu.memref_slice %arg6[%dma_wait3A_302, %dma_wait3A_303, %dma_wait3A_304] : memref<4x200x64xf32, #tpu.memory_space<vmem>> -> memref<1x200x64xf32, #tpu.memory_space<vmem>>
          %dma_wait3A_306 = tpu.memref_squeeze %dma_wait3A_305 : memref<1x200x64xf32, #tpu.memory_space<vmem>> -> memref<200x64xf32, #tpu.memory_space<vmem>>
          %dma_wait3A_307 = arith.constant 0 : i32
          %dma_wait3A_308 = arith.constant 0 : i32
          %dma_wait3A_309 = tpu.memref_slice %arg4[%mul3A_2, %dma_wait3A_307, %dma_wait3A_308] : memref<4096x200x64xf32, #tpu.memory_space<hbm>> -> memref<1x200x64xf32, #tpu.memory_space<hbm>>
          %dma_wait3A_310 = tpu.memref_squeeze %dma_wait3A_309 : memref<1x200x64xf32, #tpu.memory_space<hbm>> -> memref<200x64xf32, #tpu.memory_space<hbm>>
          %dma_wait3A_311 = arith.constant 0 : i32
          %dma_wait3A_312 = arith.constant 0 : i32
          %dma_wait3A_313 = tpu.memref_slice %arg4[%mul3A_2, %dma_wait3A_311, %dma_wait3A_312] : memref<4096x200x64xf32, #tpu.memory_space<hbm>> -> memref<1x200x64xf32, #tpu.memory_space<hbm>>
          %dma_wait3A_314 = tpu.memref_squeeze %dma_wait3A_313 : memref<1x200x64xf32, #tpu.memory_space<hbm>> -> memref<200x64xf32, #tpu.memory_space<hbm>>
          %dma_wait3A_315 = arith.constant 0 : i32
          %dma_wait3A_316 = arith.constant 0 : i32
          %dma_wait3A_317 = tpu.memref_slice %arg6[%dma_wait3A_302, %dma_wait3A_315, %dma_wait3A_316] : memref<4x200x64xf32, #tpu.memory_space<vmem>> -> memref<1x200x64xf32, #tpu.memory_space<vmem>>
          %dma_wait3A_318 = tpu.memref_squeeze %dma_wait3A_317 : memref<1x200x64xf32, #tpu.memory_space<vmem>> -> memref<200x64xf32, #tpu.memory_space<vmem>>
          tpu.wait_dma2 semaphore(%arg12 : memref<!tpu.dma_semaphore, #tpu.memory_space<semaphore_mem>>) src(%dma_wait3A_318 : memref<200x64xf32, #tpu.memory_space<vmem>>) dst(%dma_wait3A_314 : memref<200x64xf32, #tpu.memory_space<hbm>>)
        } else {
        }
        %add3A_287 = arith.constant 4 : i32
        %add3A_288 = arith.addi %add3A_157, %add3A_287 : i32
        %sub3A_289 = arith.constant 1 : i32
        %sub3A_290 = arith.subi %add3A_288, %sub3A_289 : i32
        %dma_start3A_291 = arith.constant 0 : i32
        %dma_start3A_292 = arith.constant 0 : i32
        %dma_start3A_293 = arith.constant 0 : i32
        %dma_start3A_294 = tpu.memref_slice %arg6[%dma_start3A_291, %dma_start3A_292, %dma_start3A_293] : memref<4x200x64xf32, #tpu.memory_space<vmem>> -> memref<1x200x64xf32, #tpu.memory_space<vmem>>
        %dma_start3A_295 = tpu.memref_squeeze %dma_start3A_294 : memref<1x200x64xf32, #tpu.memory_space<vmem>> -> memref<200x64xf32, #tpu.memory_space<vmem>>
        %dma_start3A_296 = arith.constant 0 : i32
        %dma_start3A_297 = tpu.memref_slice %arg5[%sub3A_290, %dma_start3A_296] : memref<128x200xi32, #tpu.memory_space<vmem>> -> memref<1x200xi32, #tpu.memory_space<vmem>>
        %dma_start3A_298 = tpu.memref_squeeze %dma_start3A_297 : memref<1x200xi32, #tpu.memory_space<vmem>> -> memref<200xi32, #tpu.memory_space<vmem>>
        %dma_start3A_299 = arith.constant 0 : i32
        %dma_start3A_300 = arith.constant 0 : i32
        %dma_start3A_301 = tpu.memref_slice %arg7[%dma_start3A_299, %dma_start3A_300] : memref<8192x64xf32, #tpu.memory_space<vmem_shared>> -> memref<8192x64xf32, #tpu.memory_space<vmem_shared>>
        tpu.enqueue_indirect_dma source(%dma_start3A_301 : memref<8192x64xf32, #tpu.memory_space<vmem_shared>>) target(%dma_start3A_295 : memref<200x64xf32, #tpu.memory_space<vmem>>) offsets(%dma_start3A_298 : memref<200xi32, #tpu.memory_space<vmem>>) semaphore(%arg8 : memref<!tpu.dma_semaphore, #tpu.memory_space<semaphore_mem>>)
      } else {
      }
      %dma_wait3A_167 = arith.constant 0 : i32
      %dma_wait3A_168 = arith.constant 1 : i32
      %dma_wait3A_169 = arith.constant 0 : i32
      %dma_wait3A_170 = arith.constant 0 : i32
      %dma_wait3A_171 = tpu.memref_slice %arg6[%dma_wait3A_168, %dma_wait3A_169, %dma_wait3A_170] : memref<4x200x64xf32, #tpu.memory_space<vmem>> -> memref<1x200x64xf32, #tpu.memory_space<vmem>>
      %dma_wait3A_172 = tpu.memref_squeeze %dma_wait3A_171 : memref<1x200x64xf32, #tpu.memory_space<vmem>> -> memref<200x64xf32, #tpu.memory_space<vmem>>
      %dma_wait3A_173 = arith.constant 0 : i32
      %dma_wait3A_174 = tpu.memref_slice %arg5[%dma_wait3A_167, %dma_wait3A_173] : memref<128x200xi32, #tpu.memory_space<vmem>> -> memref<1x200xi32, #tpu.memory_space<vmem>>
      %dma_wait3A_175 = tpu.memref_squeeze %dma_wait3A_174 : memref<1x200xi32, #tpu.memory_space<vmem>> -> memref<200xi32, #tpu.memory_space<vmem>>
      %dma_wait3A_176 = arith.constant 0 : i32
      %dma_wait3A_177 = arith.constant 0 : i32
      %dma_wait3A_178 = tpu.memref_slice %arg7[%dma_wait3A_176, %dma_wait3A_177] : memref<8192x64xf32, #tpu.memory_space<vmem_shared>> -> memref<8192x64xf32, #tpu.memory_space<vmem_shared>>
      tpu.wait_indirect_dma semaphore(%arg9 : memref<!tpu.dma_semaphore, #tpu.memory_space<semaphore_mem>>) src(%dma_wait3A_178 : memref<8192x64xf32, #tpu.memory_space<vmem_shared>>) dst(%dma_wait3A_172 : memref<200x64xf32, #tpu.memory_space<vmem>>)
      %add3A_179 = arith.addi %mul3A_2, %add3A_157 : i32
      %dma_start3A_180 = arith.constant 1 : i32
      %dma_start3A_181 = arith.constant 0 : i32
      %dma_start3A_182 = arith.constant 0 : i32
      %dma_start3A_183 = tpu.memref_slice %arg6[%dma_start3A_180, %dma_start3A_181, %dma_start3A_182] : memref<4x200x64xf32, #tpu.memory_space<vmem>> -> memref<1x200x64xf32, #tpu.memory_space<vmem>>
      %dma_start3A_184 = tpu.memref_squeeze %dma_start3A_183 : memref<1x200x64xf32, #tpu.memory_space<vmem>> -> memref<200x64xf32, #tpu.memory_space<vmem>>
      %dma_start3A_185 = arith.constant 0 : i32
      %dma_start3A_186 = arith.constant 0 : i32
      %dma_start3A_187 = tpu.memref_slice %arg4[%add3A_179, %dma_start3A_185, %dma_start3A_186] : memref<4096x200x64xf32, #tpu.memory_space<hbm>> -> memref<1x200x64xf32, #tpu.memory_space<hbm>>
      %dma_start3A_188 = tpu.memref_squeeze %dma_start3A_187 : memref<1x200x64xf32, #tpu.memory_space<hbm>> -> memref<200x64xf32, #tpu.memory_space<hbm>>
      %dma_start3A_189 = arith.constant 0 : i32
      %dma_start3A_190 = arith.constant 0 : i32
      %dma_start3A_191 = tpu.memref_slice %arg4[%add3A_179, %dma_start3A_189, %dma_start3A_190] : memref<4096x200x64xf32, #tpu.memory_space<hbm>> -> memref<1x200x64xf32, #tpu.memory_space<hbm>>
      %dma_start3A_192 = tpu.memref_squeeze %dma_start3A_191 : memref<1x200x64xf32, #tpu.memory_space<hbm>> -> memref<200x64xf32, #tpu.memory_space<hbm>>
      %dma_start3A_193 = arith.constant 0 : i32
      %dma_start3A_194 = arith.constant 0 : i32
      %dma_start3A_195 = tpu.memref_slice %arg6[%dma_start3A_180, %dma_start3A_193, %dma_start3A_194] : memref<4x200x64xf32, #tpu.memory_space<vmem>> -> memref<1x200x64xf32, #tpu.memory_space<vmem>>
      %dma_start3A_196 = tpu.memref_squeeze %dma_start3A_195 : memref<1x200x64xf32, #tpu.memory_space<vmem>> -> memref<200x64xf32, #tpu.memory_space<vmem>>
      tpu.enqueue_dma source(%dma_start3A_196 : memref<200x64xf32, #tpu.memory_space<vmem>>) target(%dma_start3A_192 : memref<200x64xf32, #tpu.memory_space<hbm>>) target_semaphore(%arg13 : memref<!tpu.dma_semaphore, #tpu.memory_space<semaphore_mem>>)
      %mul3A_197 = arith.constant 4 : i32
      %mul3A_198 = arith.muli %scan3A_112, %mul3A_197 : i32
      %add3A_199 = arith.constant 2 : i32
      %add3A_200 = arith.addi %mul3A_198, %add3A_199 : i32
      %add3A_201 = arith.constant 4 : i32
      %add3A_202 = arith.addi %add3A_200, %add3A_201 : i32
      %sub3A_203 = arith.constant 1 : i32
      %sub3A_204 = arith.subi %add3A_202, %sub3A_203 : i32
      %lt3A_205 = arith.constant 128 : i32
      %lt3A_206 = arith.cmpi slt, %sub3A_204, %lt3A_205 : i32
      %convert_element_type3A_207 = arith.extui %lt3A_206 : i1 to i32
      %cond3A_208 = arith.constant 0 : i32
      %cond3A_209 = arith.cmpi ne, %convert_element_type3A_207, %cond3A_208 : i32
      scf.if %cond3A_209 {
        %ge3A = arith.constant 1 : i32
        %ge3A_283 = arith.cmpi sge, %add3A_200, %ge3A : i32
        %convert_element_type3A_284 = arith.extui %ge3A_283 : i1 to i32
        %cond3A_285 = arith.constant 0 : i32
        %cond3A_286 = arith.cmpi ne, %convert_element_type3A_284, %cond3A_285 : i32
        scf.if %cond3A_286 {
          %dma_wait3A_302 = arith.constant 1 : i32
          %dma_wait3A_303 = arith.constant 0 : i32
          %dma_wait3A_304 = arith.constant 0 : i32
          %dma_wait3A_305 = tpu.memref_slice %arg6[%dma_wait3A_302, %dma_wait3A_303, %dma_wait3A_304] : memref<4x200x64xf32, #tpu.memory_space<vmem>> -> memref<1x200x64xf32, #tpu.memory_space<vmem>>
          %dma_wait3A_306 = tpu.memref_squeeze %dma_wait3A_305 : memref<1x200x64xf32, #tpu.memory_space<vmem>> -> memref<200x64xf32, #tpu.memory_space<vmem>>
          %dma_wait3A_307 = arith.constant 0 : i32
          %dma_wait3A_308 = arith.constant 0 : i32
          %dma_wait3A_309 = tpu.memref_slice %arg4[%mul3A_2, %dma_wait3A_307, %dma_wait3A_308] : memref<4096x200x64xf32, #tpu.memory_space<hbm>> -> memref<1x200x64xf32, #tpu.memory_space<hbm>>
          %dma_wait3A_310 = tpu.memref_squeeze %dma_wait3A_309 : memref<1x200x64xf32, #tpu.memory_space<hbm>> -> memref<200x64xf32, #tpu.memory_space<hbm>>
          %dma_wait3A_311 = arith.constant 0 : i32
          %dma_wait3A_312 = arith.constant 0 : i32
          %dma_wait3A_313 = tpu.memref_slice %arg4[%mul3A_2, %dma_wait3A_311, %dma_wait3A_312] : memref<4096x200x64xf32, #tpu.memory_space<hbm>> -> memref<1x200x64xf32, #tpu.memory_space<hbm>>
          %dma_wait3A_314 = tpu.memref_squeeze %dma_wait3A_313 : memref<1x200x64xf32, #tpu.memory_space<hbm>> -> memref<200x64xf32, #tpu.memory_space<hbm>>
          %dma_wait3A_315 = arith.constant 0 : i32
          %dma_wait3A_316 = arith.constant 0 : i32
          %dma_wait3A_317 = tpu.memref_slice %arg6[%dma_wait3A_302, %dma_wait3A_315, %dma_wait3A_316] : memref<4x200x64xf32, #tpu.memory_space<vmem>> -> memref<1x200x64xf32, #tpu.memory_space<vmem>>
          %dma_wait3A_318 = tpu.memref_squeeze %dma_wait3A_317 : memref<1x200x64xf32, #tpu.memory_space<vmem>> -> memref<200x64xf32, #tpu.memory_space<vmem>>
          tpu.wait_dma2 semaphore(%arg13 : memref<!tpu.dma_semaphore, #tpu.memory_space<semaphore_mem>>) src(%dma_wait3A_318 : memref<200x64xf32, #tpu.memory_space<vmem>>) dst(%dma_wait3A_314 : memref<200x64xf32, #tpu.memory_space<hbm>>)
        } else {
        }
        %add3A_287 = arith.constant 4 : i32
        %add3A_288 = arith.addi %add3A_200, %add3A_287 : i32
        %sub3A_289 = arith.constant 1 : i32
        %sub3A_290 = arith.subi %add3A_288, %sub3A_289 : i32
        %dma_start3A_291 = arith.constant 1 : i32
        %dma_start3A_292 = arith.constant 0 : i32
        %dma_start3A_293 = arith.constant 0 : i32
        %dma_start3A_294 = tpu.memref_slice %arg6[%dma_start3A_291, %dma_start3A_292, %dma_start3A_293] : memref<4x200x64xf32, #tpu.memory_space<vmem>> -> memref<1x200x64xf32, #tpu.memory_space<vmem>>
        %dma_start3A_295 = tpu.memref_squeeze %dma_start3A_294 : memref<1x200x64xf32, #tpu.memory_space<vmem>> -> memref<200x64xf32, #tpu.memory_space<vmem>>
        %dma_start3A_296 = arith.constant 0 : i32
        %dma_start3A_297 = tpu.memref_slice %arg5[%sub3A_290, %dma_start3A_296] : memref<128x200xi32, #tpu.memory_space<vmem>> -> memref<1x200xi32, #tpu.memory_space<vmem>>
        %dma_start3A_298 = tpu.memref_squeeze %dma_start3A_297 : memref<1x200xi32, #tpu.memory_space<vmem>> -> memref<200xi32, #tpu.memory_space<vmem>>
        %dma_start3A_299 = arith.constant 0 : i32
        %dma_start3A_300 = arith.constant 0 : i32
        %dma_start3A_301 = tpu.memref_slice %arg7[%dma_start3A_299, %dma_start3A_300] : memref<8192x64xf32, #tpu.memory_space<vmem_shared>> -> memref<8192x64xf32, #tpu.memory_space<vmem_shared>>
        tpu.enqueue_indirect_dma source(%dma_start3A_301 : memref<8192x64xf32, #tpu.memory_space<vmem_shared>>) target(%dma_start3A_295 : memref<200x64xf32, #tpu.memory_space<vmem>>) offsets(%dma_start3A_298 : memref<200xi32, #tpu.memory_space<vmem>>) semaphore(%arg9 : memref<!tpu.dma_semaphore, #tpu.memory_space<semaphore_mem>>)
      } else {
      }
      %dma_wait3A_210 = arith.constant 0 : i32
      %dma_wait3A_211 = arith.constant 2 : i32
      %dma_wait3A_212 = arith.constant 0 : i32
      %dma_wait3A_213 = arith.constant 0 : i32
      %dma_wait3A_214 = tpu.memref_slice %arg6[%dma_wait3A_211, %dma_wait3A_212, %dma_wait3A_213] : memref<4x200x64xf32, #tpu.memory_space<vmem>> -> memref<1x200x64xf32, #tpu.memory_space<vmem>>
      %dma_wait3A_215 = tpu.memref_squeeze %dma_wait3A_214 : memref<1x200x64xf32, #tpu.memory_space<vmem>> -> memref<200x64xf32, #tpu.memory_space<vmem>>
      %dma_wait3A_216 = arith.constant 0 : i32
      %dma_wait3A_217 = tpu.memref_slice %arg5[%dma_wait3A_210, %dma_wait3A_216] : memref<128x200xi32, #tpu.memory_space<vmem>> -> memref<1x200xi32, #tpu.memory_space<vmem>>
      %dma_wait3A_218 = tpu.memref_squeeze %dma_wait3A_217 : memref<1x200xi32, #tpu.memory_space<vmem>> -> memref<200xi32, #tpu.memory_space<vmem>>
      %dma_wait3A_219 = arith.constant 0 : i32
      %dma_wait3A_220 = arith.constant 0 : i32
      %dma_wait3A_221 = tpu.memref_slice %arg7[%dma_wait3A_219, %dma_wait3A_220] : memref<8192x64xf32, #tpu.memory_space<vmem_shared>> -> memref<8192x64xf32, #tpu.memory_space<vmem_shared>>
      tpu.wait_indirect_dma semaphore(%arg10 : memref<!tpu.dma_semaphore, #tpu.memory_space<semaphore_mem>>) src(%dma_wait3A_221 : memref<8192x64xf32, #tpu.memory_space<vmem_shared>>) dst(%dma_wait3A_215 : memref<200x64xf32, #tpu.memory_space<vmem>>)
      %add3A_222 = arith.addi %mul3A_2, %add3A_200 : i32
      %dma_start3A_223 = arith.constant 2 : i32
      %dma_start3A_224 = arith.constant 0 : i32
      %dma_start3A_225 = arith.constant 0 : i32
      %dma_start3A_226 = tpu.memref_slice %arg6[%dma_start3A_223, %dma_start3A_224, %dma_start3A_225] : memref<4x200x64xf32, #tpu.memory_space<vmem>> -> memref<1x200x64xf32, #tpu.memory_space<vmem>>
      %dma_start3A_227 = tpu.memref_squeeze %dma_start3A_226 : memref<1x200x64xf32, #tpu.memory_space<vmem>> -> memref<200x64xf32, #tpu.memory_space<vmem>>
      %dma_start3A_228 = arith.constant 0 : i32
      %dma_start3A_229 = arith.constant 0 : i32
      %dma_start3A_230 = tpu.memref_slice %arg4[%add3A_222, %dma_start3A_228, %dma_start3A_229] : memref<4096x200x64xf32, #tpu.memory_space<hbm>> -> memref<1x200x64xf32, #tpu.memory_space<hbm>>
      %dma_start3A_231 = tpu.memref_squeeze %dma_start3A_230 : memref<1x200x64xf32, #tpu.memory_space<hbm>> -> memref<200x64xf32, #tpu.memory_space<hbm>>
      %dma_start3A_232 = arith.constant 0 : i32
      %dma_start3A_233 = arith.constant 0 : i32
      %dma_start3A_234 = tpu.memref_slice %arg4[%add3A_222, %dma_start3A_232, %dma_start3A_233] : memref<4096x200x64xf32, #tpu.memory_space<hbm>> -> memref<1x200x64xf32, #tpu.memory_space<hbm>>
      %dma_start3A_235 = tpu.memref_squeeze %dma_start3A_234 : memref<1x200x64xf32, #tpu.memory_space<hbm>> -> memref<200x64xf32, #tpu.memory_space<hbm>>
      %dma_start3A_236 = arith.constant 0 : i32
      %dma_start3A_237 = arith.constant 0 : i32
      %dma_start3A_238 = tpu.memref_slice %arg6[%dma_start3A_223, %dma_start3A_236, %dma_start3A_237] : memref<4x200x64xf32, #tpu.memory_space<vmem>> -> memref<1x200x64xf32, #tpu.memory_space<vmem>>
      %dma_start3A_239 = tpu.memref_squeeze %dma_start3A_238 : memref<1x200x64xf32, #tpu.memory_space<vmem>> -> memref<200x64xf32, #tpu.memory_space<vmem>>
      tpu.enqueue_dma source(%dma_start3A_239 : memref<200x64xf32, #tpu.memory_space<vmem>>) target(%dma_start3A_235 : memref<200x64xf32, #tpu.memory_space<hbm>>) target_semaphore(%arg14 : memref<!tpu.dma_semaphore, #tpu.memory_space<semaphore_mem>>)
      %mul3A_240 = arith.constant 4 : i32
      %mul3A_241 = arith.muli %scan3A_112, %mul3A_240 : i32
      %add3A_242 = arith.constant 3 : i32
      %add3A_243 = arith.addi %mul3A_241, %add3A_242 : i32
      %add3A_244 = arith.constant 4 : i32
      %add3A_245 = arith.addi %add3A_243, %add3A_244 : i32
      %sub3A_246 = arith.constant 1 : i32
      %sub3A_247 = arith.subi %add3A_245, %sub3A_246 : i32
      %lt3A_248 = arith.constant 128 : i32
      %lt3A_249 = arith.cmpi slt, %sub3A_247, %lt3A_248 : i32
      %convert_element_type3A_250 = arith.extui %lt3A_249 : i1 to i32
      %cond3A_251 = arith.constant 0 : i32
      %cond3A_252 = arith.cmpi ne, %convert_element_type3A_250, %cond3A_251 : i32
      scf.if %cond3A_252 {
        %ge3A = arith.constant 1 : i32
        %ge3A_283 = arith.cmpi sge, %add3A_243, %ge3A : i32
        %convert_element_type3A_284 = arith.extui %ge3A_283 : i1 to i32
        %cond3A_285 = arith.constant 0 : i32
        %cond3A_286 = arith.cmpi ne, %convert_element_type3A_284, %cond3A_285 : i32
        scf.if %cond3A_286 {
          %dma_wait3A_302 = arith.constant 2 : i32
          %dma_wait3A_303 = arith.constant 0 : i32
          %dma_wait3A_304 = arith.constant 0 : i32
          %dma_wait3A_305 = tpu.memref_slice %arg6[%dma_wait3A_302, %dma_wait3A_303, %dma_wait3A_304] : memref<4x200x64xf32, #tpu.memory_space<vmem>> -> memref<1x200x64xf32, #tpu.memory_space<vmem>>
          %dma_wait3A_306 = tpu.memref_squeeze %dma_wait3A_305 : memref<1x200x64xf32, #tpu.memory_space<vmem>> -> memref<200x64xf32, #tpu.memory_space<vmem>>
          %dma_wait3A_307 = arith.constant 0 : i32
          %dma_wait3A_308 = arith.constant 0 : i32
          %dma_wait3A_309 = tpu.memref_slice %arg4[%mul3A_2, %dma_wait3A_307, %dma_wait3A_308] : memref<4096x200x64xf32, #tpu.memory_space<hbm>> -> memref<1x200x64xf32, #tpu.memory_space<hbm>>
          %dma_wait3A_310 = tpu.memref_squeeze %dma_wait3A_309 : memref<1x200x64xf32, #tpu.memory_space<hbm>> -> memref<200x64xf32, #tpu.memory_space<hbm>>
          %dma_wait3A_311 = arith.constant 0 : i32
          %dma_wait3A_312 = arith.constant 0 : i32
          %dma_wait3A_313 = tpu.memref_slice %arg4[%mul3A_2, %dma_wait3A_311, %dma_wait3A_312] : memref<4096x200x64xf32, #tpu.memory_space<hbm>> -> memref<1x200x64xf32, #tpu.memory_space<hbm>>
          %dma_wait3A_314 = tpu.memref_squeeze %dma_wait3A_313 : memref<1x200x64xf32, #tpu.memory_space<hbm>> -> memref<200x64xf32, #tpu.memory_space<hbm>>
          %dma_wait3A_315 = arith.constant 0 : i32
          %dma_wait3A_316 = arith.constant 0 : i32
          %dma_wait3A_317 = tpu.memref_slice %arg6[%dma_wait3A_302, %dma_wait3A_315, %dma_wait3A_316] : memref<4x200x64xf32, #tpu.memory_space<vmem>> -> memref<1x200x64xf32, #tpu.memory_space<vmem>>
          %dma_wait3A_318 = tpu.memref_squeeze %dma_wait3A_317 : memref<1x200x64xf32, #tpu.memory_space<vmem>> -> memref<200x64xf32, #tpu.memory_space<vmem>>
          tpu.wait_dma2 semaphore(%arg14 : memref<!tpu.dma_semaphore, #tpu.memory_space<semaphore_mem>>) src(%dma_wait3A_318 : memref<200x64xf32, #tpu.memory_space<vmem>>) dst(%dma_wait3A_314 : memref<200x64xf32, #tpu.memory_space<hbm>>)
        } else {
        }
        %add3A_287 = arith.constant 4 : i32
        %add3A_288 = arith.addi %add3A_243, %add3A_287 : i32
        %sub3A_289 = arith.constant 1 : i32
        %sub3A_290 = arith.subi %add3A_288, %sub3A_289 : i32
        %dma_start3A_291 = arith.constant 2 : i32
        %dma_start3A_292 = arith.constant 0 : i32
        %dma_start3A_293 = arith.constant 0 : i32
        %dma_start3A_294 = tpu.memref_slice %arg6[%dma_start3A_291, %dma_start3A_292, %dma_start3A_293] : memref<4x200x64xf32, #tpu.memory_space<vmem>> -> memref<1x200x64xf32, #tpu.memory_space<vmem>>
        %dma_start3A_295 = tpu.memref_squeeze %dma_start3A_294 : memref<1x200x64xf32, #tpu.memory_space<vmem>> -> memref<200x64xf32, #tpu.memory_space<vmem>>
        %dma_start3A_296 = arith.constant 0 : i32
        %dma_start3A_297 = tpu.memref_slice %arg5[%sub3A_290, %dma_start3A_296] : memref<128x200xi32, #tpu.memory_space<vmem>> -> memref<1x200xi32, #tpu.memory_space<vmem>>
        %dma_start3A_298 = tpu.memref_squeeze %dma_start3A_297 : memref<1x200xi32, #tpu.memory_space<vmem>> -> memref<200xi32, #tpu.memory_space<vmem>>
        %dma_start3A_299 = arith.constant 0 : i32
        %dma_start3A_300 = arith.constant 0 : i32
        %dma_start3A_301 = tpu.memref_slice %arg7[%dma_start3A_299, %dma_start3A_300] : memref<8192x64xf32, #tpu.memory_space<vmem_shared>> -> memref<8192x64xf32, #tpu.memory_space<vmem_shared>>
        tpu.enqueue_indirect_dma source(%dma_start3A_301 : memref<8192x64xf32, #tpu.memory_space<vmem_shared>>) target(%dma_start3A_295 : memref<200x64xf32, #tpu.memory_space<vmem>>) offsets(%dma_start3A_298 : memref<200xi32, #tpu.memory_space<vmem>>) semaphore(%arg10 : memref<!tpu.dma_semaphore, #tpu.memory_space<semaphore_mem>>)
      } else {
      }
      %dma_wait3A_253 = arith.constant 0 : i32
      %dma_wait3A_254 = arith.constant 3 : i32
      %dma_wait3A_255 = arith.constant 0 : i32
      %dma_wait3A_256 = arith.constant 0 : i32
      %dma_wait3A_257 = tpu.memref_slice %arg6[%dma_wait3A_254, %dma_wait3A_255, %dma_wait3A_256] : memref<4x200x64xf32, #tpu.memory_space<vmem>> -> memref<1x200x64xf32, #tpu.memory_space<vmem>>
      %dma_wait3A_258 = tpu.memref_squeeze %dma_wait3A_257 : memref<1x200x64xf32, #tpu.memory_space<vmem>> -> memref<200x64xf32, #tpu.memory_space<vmem>>
      %dma_wait3A_259 = arith.constant 0 : i32
      %dma_wait3A_260 = tpu.memref_slice %arg5[%dma_wait3A_253, %dma_wait3A_259] : memref<128x200xi32, #tpu.memory_space<vmem>> -> memref<1x200xi32, #tpu.memory_space<vmem>>
      %dma_wait3A_261 = tpu.memref_squeeze %dma_wait3A_260 : memref<1x200xi32, #tpu.memory_space<vmem>> -> memref<200xi32, #tpu.memory_space<vmem>>
      %dma_wait3A_262 = arith.constant 0 : i32
      %dma_wait3A_263 = arith.constant 0 : i32
      %dma_wait3A_264 = tpu.memref_slice %arg7[%dma_wait3A_262, %dma_wait3A_263] : memref<8192x64xf32, #tpu.memory_space<vmem_shared>> -> memref<8192x64xf32, #tpu.memory_space<vmem_shared>>
      tpu.wait_indirect_dma semaphore(%arg11 : memref<!tpu.dma_semaphore, #tpu.memory_space<semaphore_mem>>) src(%dma_wait3A_264 : memref<8192x64xf32, #tpu.memory_space<vmem_shared>>) dst(%dma_wait3A_258 : memref<200x64xf32, #tpu.memory_space<vmem>>)
      %add3A_265 = arith.addi %mul3A_2, %add3A_243 : i32
      %dma_start3A_266 = arith.constant 3 : i32
      %dma_start3A_267 = arith.constant 0 : i32
      %dma_start3A_268 = arith.constant 0 : i32
      %dma_start3A_269 = tpu.memref_slice %arg6[%dma_start3A_266, %dma_start3A_267, %dma_start3A_268] : memref<4x200x64xf32, #tpu.memory_space<vmem>> -> memref<1x200x64xf32, #tpu.memory_space<vmem>>
      %dma_start3A_270 = tpu.memref_squeeze %dma_start3A_269 : memref<1x200x64xf32, #tpu.memory_space<vmem>> -> memref<200x64xf32, #tpu.memory_space<vmem>>
      %dma_start3A_271 = arith.constant 0 : i32
      %dma_start3A_272 = arith.constant 0 : i32
      %dma_start3A_273 = tpu.memref_slice %arg4[%add3A_265, %dma_start3A_271, %dma_start3A_272] : memref<4096x200x64xf32, #tpu.memory_space<hbm>> -> memref<1x200x64xf32, #tpu.memory_space<hbm>>
      %dma_start3A_274 = tpu.memref_squeeze %dma_start3A_273 : memref<1x200x64xf32, #tpu.memory_space<hbm>> -> memref<200x64xf32, #tpu.memory_space<hbm>>
      %dma_start3A_275 = arith.constant 0 : i32
      %dma_start3A_276 = arith.constant 0 : i32
      %dma_start3A_277 = tpu.memref_slice %arg4[%add3A_265, %dma_start3A_275, %dma_start3A_276] : memref<4096x200x64xf32, #tpu.memory_space<hbm>> -> memref<1x200x64xf32, #tpu.memory_space<hbm>>
      %dma_start3A_278 = tpu.memref_squeeze %dma_start3A_277 : memref<1x200x64xf32, #tpu.memory_space<hbm>> -> memref<200x64xf32, #tpu.memory_space<hbm>>
      %dma_start3A_279 = arith.constant 0 : i32
      %dma_start3A_280 = arith.constant 0 : i32
      %dma_start3A_281 = tpu.memref_slice %arg6[%dma_start3A_266, %dma_start3A_279, %dma_start3A_280] : memref<4x200x64xf32, #tpu.memory_space<vmem>> -> memref<1x200x64xf32, #tpu.memory_space<vmem>>
      %dma_start3A_282 = tpu.memref_squeeze %dma_start3A_281 : memref<1x200x64xf32, #tpu.memory_space<vmem>> -> memref<200x64xf32, #tpu.memory_space<vmem>>
      tpu.enqueue_dma source(%dma_start3A_282 : memref<200x64xf32, #tpu.memory_space<vmem>>) target(%dma_start3A_278 : memref<200x64xf32, #tpu.memory_space<hbm>>) target_semaphore(%arg15 : memref<!tpu.dma_semaphore, #tpu.memory_space<semaphore_mem>>)
    }
    %scan3A_44 = arith.constant 32 : i32
    %dma_wait3A = arith.constant 0 : i32
    %dma_wait3A_45 = arith.constant 0 : i32
    %dma_wait3A_46 = arith.constant 0 : i32
    %dma_wait3A_47 = tpu.memref_slice %arg6[%dma_wait3A, %dma_wait3A_45, %dma_wait3A_46] : memref<4x200x64xf32, #tpu.memory_space<vmem>> -> memref<1x200x64xf32, #tpu.memory_space<vmem>>
    %dma_wait3A_48 = tpu.memref_squeeze %dma_wait3A_47 : memref<1x200x64xf32, #tpu.memory_space<vmem>> -> memref<200x64xf32, #tpu.memory_space<vmem>>
    %dma_wait3A_49 = arith.constant 0 : i32
    %dma_wait3A_50 = arith.constant 0 : i32
    %dma_wait3A_51 = tpu.memref_slice %arg4[%mul3A_2, %dma_wait3A_49, %dma_wait3A_50] : memref<4096x200x64xf32, #tpu.memory_space<hbm>> -> memref<1x200x64xf32, #tpu.memory_space<hbm>>
    %dma_wait3A_52 = tpu.memref_squeeze %dma_wait3A_51 : memref<1x200x64xf32, #tpu.memory_space<hbm>> -> memref<200x64xf32, #tpu.memory_space<hbm>>
    %dma_wait3A_53 = arith.constant 0 : i32
    %dma_wait3A_54 = arith.constant 0 : i32
    %dma_wait3A_55 = tpu.memref_slice %arg4[%mul3A_2, %dma_wait3A_53, %dma_wait3A_54] : memref<4096x200x64xf32, #tpu.memory_space<hbm>> -> memref<1x200x64xf32, #tpu.memory_space<hbm>>
    %dma_wait3A_56 = tpu.memref_squeeze %dma_wait3A_55 : memref<1x200x64xf32, #tpu.memory_space<hbm>> -> memref<200x64xf32, #tpu.memory_space<hbm>>
    %dma_wait3A_57 = arith.constant 0 : i32
    %dma_wait3A_58 = arith.constant 0 : i32
    %dma_wait3A_59 = tpu.memref_slice %arg6[%dma_wait3A, %dma_wait3A_57, %dma_wait3A_58] : memref<4x200x64xf32, #tpu.memory_space<vmem>> -> memref<1x200x64xf32, #tpu.memory_space<vmem>>
    %dma_wait3A_60 = tpu.memref_squeeze %dma_wait3A_59 : memref<1x200x64xf32, #tpu.memory_space<vmem>> -> memref<200x64xf32, #tpu.memory_space<vmem>>
    tpu.wait_dma2 semaphore(%arg12 : memref<!tpu.dma_semaphore, #tpu.memory_space<semaphore_mem>>) src(%dma_wait3A_60 : memref<200x64xf32, #tpu.memory_space<vmem>>) dst(%dma_wait3A_56 : memref<200x64xf32, #tpu.memory_space<hbm>>)
    %dma_wait3A_61 = arith.constant 1 : i32
    %dma_wait3A_62 = arith.constant 0 : i32
    %dma_wait3A_63 = arith.constant 0 : i32
    %dma_wait3A_64 = tpu.memref_slice %arg6[%dma_wait3A_61, %dma_wait3A_62, %dma_wait3A_63] : memref<4x200x64xf32, #tpu.memory_space<vmem>> -> memref<1x200x64xf32, #tpu.memory_space<vmem>>
    %dma_wait3A_65 = tpu.memref_squeeze %dma_wait3A_64 : memref<1x200x64xf32, #tpu.memory_space<vmem>> -> memref<200x64xf32, #tpu.memory_space<vmem>>
    %dma_wait3A_66 = arith.constant 0 : i32
    %dma_wait3A_67 = arith.constant 0 : i32
    %dma_wait3A_68 = tpu.memref_slice %arg4[%mul3A_2, %dma_wait3A_66, %dma_wait3A_67] : memref<4096x200x64xf32, #tpu.memory_space<hbm>> -> memref<1x200x64xf32, #tpu.memory_space<hbm>>
    %dma_wait3A_69 = tpu.memref_squeeze %dma_wait3A_68 : memref<1x200x64xf32, #tpu.memory_space<hbm>> -> memref<200x64xf32, #tpu.memory_space<hbm>>
    %dma_wait3A_70 = arith.constant 0 : i32
    %dma_wait3A_71 = arith.constant 0 : i32
    %dma_wait3A_72 = tpu.memref_slice %arg4[%mul3A_2, %dma_wait3A_70, %dma_wait3A_71] : memref<4096x200x64xf32, #tpu.memory_space<hbm>> -> memref<1x200x64xf32, #tpu.memory_space<hbm>>
    %dma_wait3A_73 = tpu.memref_squeeze %dma_wait3A_72 : memref<1x200x64xf32, #tpu.memory_space<hbm>> -> memref<200x64xf32, #tpu.memory_space<hbm>>
    %dma_wait3A_74 = arith.constant 0 : i32
    %dma_wait3A_75 = arith.constant 0 : i32
    %dma_wait3A_76 = tpu.memref_slice %arg6[%dma_wait3A_61, %dma_wait3A_74, %dma_wait3A_75] : memref<4x200x64xf32, #tpu.memory_space<vmem>> -> memref<1x200x64xf32, #tpu.memory_space<vmem>>
    %dma_wait3A_77 = tpu.memref_squeeze %dma_wait3A_76 : memref<1x200x64xf32, #tpu.memory_space<vmem>> -> memref<200x64xf32, #tpu.memory_space<vmem>>
    tpu.wait_dma2 semaphore(%arg13 : memref<!tpu.dma_semaphore, #tpu.memory_space<semaphore_mem>>) src(%dma_wait3A_77 : memref<200x64xf32, #tpu.memory_space<vmem>>) dst(%dma_wait3A_73 : memref<200x64xf32, #tpu.memory_space<hbm>>)
    %dma_wait3A_78 = arith.constant 2 : i32
    %dma_wait3A_79 = arith.constant 0 : i32
    %dma_wait3A_80 = arith.constant 0 : i32
    %dma_wait3A_81 = tpu.memref_slice %arg6[%dma_wait3A_78, %dma_wait3A_79, %dma_wait3A_80] : memref<4x200x64xf32, #tpu.memory_space<vmem>> -> memref<1x200x64xf32, #tpu.memory_space<vmem>>
    %dma_wait3A_82 = tpu.memref_squeeze %dma_wait3A_81 : memref<1x200x64xf32, #tpu.memory_space<vmem>> -> memref<200x64xf32, #tpu.memory_space<vmem>>
    %dma_wait3A_83 = arith.constant 0 : i32
    %dma_wait3A_84 = arith.constant 0 : i32
    %dma_wait3A_85 = tpu.memref_slice %arg4[%mul3A_2, %dma_wait3A_83, %dma_wait3A_84] : memref<4096x200x64xf32, #tpu.memory_space<hbm>> -> memref<1x200x64xf32, #tpu.memory_space<hbm>>
    %dma_wait3A_86 = tpu.memref_squeeze %dma_wait3A_85 : memref<1x200x64xf32, #tpu.memory_space<hbm>> -> memref<200x64xf32, #tpu.memory_space<hbm>>
    %dma_wait3A_87 = arith.constant 0 : i32
    %dma_wait3A_88 = arith.constant 0 : i32
    %dma_wait3A_89 = tpu.memref_slice %arg4[%mul3A_2, %dma_wait3A_87, %dma_wait3A_88] : memref<4096x200x64xf32, #tpu.memory_space<hbm>> -> memref<1x200x64xf32, #tpu.memory_space<hbm>>
    %dma_wait3A_90 = tpu.memref_squeeze %dma_wait3A_89 : memref<1x200x64xf32, #tpu.memory_space<hbm>> -> memref<200x64xf32, #tpu.memory_space<hbm>>
    %dma_wait3A_91 = arith.constant 0 : i32
    %dma_wait3A_92 = arith.constant 0 : i32
    %dma_wait3A_93 = tpu.memref_slice %arg6[%dma_wait3A_78, %dma_wait3A_91, %dma_wait3A_92] : memref<4x200x64xf32, #tpu.memory_space<vmem>> -> memref<1x200x64xf32, #tpu.memory_space<vmem>>
    %dma_wait3A_94 = tpu.memref_squeeze %dma_wait3A_93 : memref<1x200x64xf32, #tpu.memory_space<vmem>> -> memref<200x64xf32, #tpu.memory_space<vmem>>
    tpu.wait_dma2 semaphore(%arg14 : memref<!tpu.dma_semaphore, #tpu.memory_space<semaphore_mem>>) src(%dma_wait3A_94 : memref<200x64xf32, #tpu.memory_space<vmem>>) dst(%dma_wait3A_90 : memref<200x64xf32, #tpu.memory_space<hbm>>)
    %dma_wait3A_95 = arith.constant 3 : i32
    %dma_wait3A_96 = arith.constant 0 : i32
    %dma_wait3A_97 = arith.constant 0 : i32
    %dma_wait3A_98 = tpu.memref_slice %arg6[%dma_wait3A_95, %dma_wait3A_96, %dma_wait3A_97] : memref<4x200x64xf32, #tpu.memory_space<vmem>> -> memref<1x200x64xf32, #tpu.memory_space<vmem>>
    %dma_wait3A_99 = tpu.memref_squeeze %dma_wait3A_98 : memref<1x200x64xf32, #tpu.memory_space<vmem>> -> memref<200x64xf32, #tpu.memory_space<vmem>>
    %dma_wait3A_100 = arith.constant 0 : i32
    %dma_wait3A_101 = arith.constant 0 : i32
    %dma_wait3A_102 = tpu.memref_slice %arg4[%mul3A_2, %dma_wait3A_100, %dma_wait3A_101] : memref<4096x200x64xf32, #tpu.memory_space<hbm>> -> memref<1x200x64xf32, #tpu.memory_space<hbm>>
    %dma_wait3A_103 = tpu.memref_squeeze %dma_wait3A_102 : memref<1x200x64xf32, #tpu.memory_space<hbm>> -> memref<200x64xf32, #tpu.memory_space<hbm>>
    %dma_wait3A_104 = arith.constant 0 : i32
    %dma_wait3A_105 = arith.constant 0 : i32
    %dma_wait3A_106 = tpu.memref_slice %arg4[%mul3A_2, %dma_wait3A_104, %dma_wait3A_105] : memref<4096x200x64xf32, #tpu.memory_space<hbm>> -> memref<1x200x64xf32, #tpu.memory_space<hbm>>
    %dma_wait3A_107 = tpu.memref_squeeze %dma_wait3A_106 : memref<1x200x64xf32, #tpu.memory_space<hbm>> -> memref<200x64xf32, #tpu.memory_space<hbm>>
    %dma_wait3A_108 = arith.constant 0 : i32
    %dma_wait3A_109 = arith.constant 0 : i32
    %dma_wait3A_110 = tpu.memref_slice %arg6[%dma_wait3A_95, %dma_wait3A_108, %dma_wait3A_109] : memref<4x200x64xf32, #tpu.memory_space<vmem>> -> memref<1x200x64xf32, #tpu.memory_space<vmem>>
    %dma_wait3A_111 = tpu.memref_squeeze %dma_wait3A_110 : memref<1x200x64xf32, #tpu.memory_space<vmem>> -> memref<200x64xf32, #tpu.memory_space<vmem>>
    tpu.wait_dma2 semaphore(%arg15 : memref<!tpu.dma_semaphore, #tpu.memory_space<semaphore_mem>>) src(%dma_wait3A_111 : memref<200x64xf32, #tpu.memory_space<vmem>>) dst(%dma_wait3A_107 : memref<200x64xf32, #tpu.memory_space<hbm>>)
    return
  }
}

</mosaic_0001>

<sc_bundles>
// kernel: kernel.3.cloned.1.call-start
scs
__scs_entry_jumppad:
0x0: {  	(pc) =	sbr.rel $0x88, $3  }
0x1: {  	(tag) =	ssettag $0x0;
	lr =	simm.s32 $0x1  }
0x2: {  	[smem:$0x3F9F] =	sst lr;
	_ =	strace $0xD0000000  }
0x3: {  	_ = 	snop  }
0x4: {  	_ = 	snop  }
0x5: {  	_ = 	snop  }
0x6: {  	_ = 	snop  }
0x7: {  	_ = 	snop  }
__scs_overlays_trampoline_lowered:
0x8: {  	[smem:$0x3FAE] =	sst s0  }
0x9: {  	[smem:$0x3FAF] =	sst s1  }
0xa: {  	[smem:$0x3FB0] =	sst s2  }
0xb: {  	[smem:$0x3FB1] =	sst s3  }
0xc: {  	[smem:$0x3FB2] =	sst s4  }
0xd: {  	[smem:$0x3FB3] =	sst s5  }
0xe: {  	[smem:$0x3FB4] =	sst s6  }
0xf: {  	[smem:$0x3FB5] =	sst s7  }
0x10: {  	[smem:$0x3FB6] =	sst s8  }
0x11: {  	[smem:$0x3FB7] =	sst s9;
	s0 =	simm.s32 @!p0 $0x0  }
0x12: {  	s1 =	sld [smem:$0x3F9D];
	s0 =	simm.s32 @p0 $0x1  }
0x13: {  	[smem:$0x3FB8] =	sst s0;
	s0 =	simm.s32 @!p1 $0x0  }
0x14: {  	s2 =	sld [smem:$0x3F9C];
	s0 =	simm.s32 @p1 $0x1  }
0x15: {  	[smem:$0x3FB9] =	sst s0;
	s0 =	simm.s32 @!p2 $0x0  }
0x16: {  	s3 =	sld [smem:$0x3FDB];
	s0 =	simm.s32 @p2 $0x1  }
0x17: {  	s4 =	simm.s32 $0x1BF5;
	[smem:$0x3FBB] =	sst s0  }
0x18: {  	s0 =	sld [smem:$0x3F9E];
	_ =	swait.ge [sflag:s4], $0x0  }
0x19: {  	s7 =	sld [smem:$0x3F9F]  }
0x1a: {  	s8 =	sadd.s32 $0xFFFFE003, lr  }
0x1b: {  	s9 =	sadd.s32 $0xFFFFFEF7, lr;
	s5 =	simm.s32 $0xFFFFFFFF;
	p2 =	slt.u32 s8, $0xFFFFF086  }
0x1c: {  	p1 =	slt.u32 s9, $0xF7A;
	s5 =	simm.s32 @!p2 $0x0  }
0x1d: {  	s5 =	simm.s32 @p1 $0x1;
	p0 =	seq.s32 s7, s2  }
0x1e: {  	s7 =	smul.u32 @!p0 $0xF7A, s2;
	p2 =	seq.s32 @!p0 s5, $0x0  }
0x1f: {  	s9 =	smul.u32 $0xF7A, s1;
	s8 =	simm.s32 @!p0 $0x1BF5;
	p2 =	por !p2, p0  }
0x20: {  	[sflag:s8] =	ssyncset.s32 @!p0 $0xFFFFF086;
	s6 =	sadd.s32 @!p0 s3, s7;
	s7 =	simm.s32 @!p0 $0x108  }
0x21: {  	s3 =	sadd.s32 s3, s9;
	s6 =	sadd.s32 @!p0 $0x88, s6;
	s7 =	simm.s32 @p2 $0x1082  }
0x22: {  	[simem:s7], [sflag:s8] =	dma.local @!p0 [hbm:s6], $0xF7A  }
0x23: {  	s9 =	sor.u32 $0xD0000000, s2;
	s6 =	simm.s32 $0x108;
	_ =	swait.ge @!p0 [sflag:s8], $0x0  }
0x24: {  	s3 =	sadd.s32 $0x88, s3;
	s6 =	simm.s32 @!p1 $0x1082;
	[sflag:s4] =	ssyncset.s32 $0xFFFFF086  }
0x25: {  	[simem:s6], [sflag:s4] =	dma.local [hbm:s3], $0xF7A  }
0x26: {  	[smem:$0x3F9F] =	sst s1;
	(tag) =	ssettag s2;
	_ =	strace s9  }
0x27: {  	s1 =	sld [smem:$0x3FAF]  }
0x28: {  	s2 =	sld [smem:$0x3FB0]  }
0x29: {  	s4 =	sld [smem:$0x3FB2]  }
0x2a: {  	p0 =	seq.s32 s5, $0x0;
	s5 =	sld [smem:$0x3FB3]  }
0x2b: {  	s6 =	sld [smem:$0x3FB4]  }
0x2c: {  	s7 =	sld [smem:$0x3FB5]  }
0x2d: {  	s3 =	simm.s32 $0x108;
	s8 =	sld [smem:$0x3FB6]  }
0x2e: {  	s3 =	simm.s32 @!p0 $0x1082;
	s9 =	sld [smem:$0x3FB7]  }
0x2f: {  	lr =	sadd.s32 s0, s3;
	s0 =	sld [smem:$0x3FAE]  }
0x30: {  	s3 =	sld [smem:$0x3FB1]  }
0x31: {  	[smem:$0x3FBA] =	sst s10  }
0x32: {  	s10 =	sld [smem:$0x3FB8];
	_ =	sdelay $0x3  }
0x33: {  	p0 =	seq.s32 s10, $0x1;
	s10 =	sld [smem:$0x3FBA];
	_ =	sdelay $0x3  }
0x34: {  	[smem:$0x3FBA] =	sst s10  }
0x35: {  	s10 =	sld [smem:$0x3FB9];
	_ =	sdelay $0x3  }
0x36: {  	p1 =	seq.s32 s10, $0x1;
	s10 =	sld [smem:$0x3FBA];
	_ =	sdelay $0x3  }
0x37: {  	[smem:$0x3FBA] =	sst s10  }
0x38: {  	s10 =	sld [smem:$0x3FBB]  }
0x39: {  	_ = 	snop;
	(pc) =	sbr.ind lr, $3  }
0x3a: {  	_ = 	snop  }
0x3b: {  	_ = 	snop  }
0x3c: {  	p2 =	seq.s32 s10, $0x1;
	s10 =	sld [smem:$0x3FBA]  }
0x3d: {  	_ =	shalt  }
0x3e: {  	_ =	shalt  }
0x3f: {  	_ =	shalt  }
0x40: {  	_ =	shalt  }
0x41: {  	_ =	shalt  }
0x42: {  	_ =	shalt  }
0x43: {  	_ =	shalt  }
0x44: {  	_ =	shalt  }
0x45: {  	_ =	shalt  }
0x46: {  	_ =	shalt  }
0x47: {  	_ =	shalt  }
0x48: {  	_ =	shalt  }
0x49: {  	_ =	shalt  }
0x4a: {  	_ =	shalt  }
0x4b: {  	_ =	shalt  }
0x4c: {  	_ =	shalt  }
0x4d: {  	_ =	shalt  }
0x4e: {  	_ =	shalt  }
0x4f: {  	_ =	shalt  }
0x50: {  	_ =	shalt  }
0x51: {  	_ =	shalt  }
0x52: {  	_ =	shalt  }
0x53: {  	_ =	shalt  }
0x54: {  	_ =	shalt  }
0x55: {  	_ =	shalt  }
0x56: {  	_ =	shalt  }
0x57: {  	_ =	shalt  }
0x58: {  	_ =	shalt  }
0x59: {  	_ =	shalt  }
0x5a: {  	_ =	shalt  }
0x5b: {  	_ =	shalt  }
0x5c: {  	_ =	shalt  }
0x5d: {  	_ =	shalt  }
0x5e: {  	_ =	shalt  }
0x5f: {  	_ =	shalt  }
0x60: {  	_ =	shalt  }
0x61: {  	_ =	shalt  }
0x62: {  	_ =	shalt  }
0x63: {  	_ =	shalt  }
0x64: {  	_ =	shalt  }
0x65: {  	_ =	shalt  }
0x66: {  	_ =	shalt  }
0x67: {  	_ =	shalt  }
0x68: {  	_ =	shalt  }
0x69: {  	_ =	shalt  }
0x6a: {  	_ =	shalt  }
0x6b: {  	_ =	shalt  }
0x6c: {  	_ =	shalt  }
0x6d: {  	_ =	shalt  }
0x6e: {  	_ =	shalt  }
0x6f: {  	_ =	shalt  }
0x70: {  	_ =	shalt  }
0x71: {  	_ =	shalt  }
0x72: {  	_ =	shalt  }
0x73: {  	_ =	shalt  }
0x74: {  	_ =	shalt  }
0x75: {  	_ =	shalt  }
0x76: {  	_ =	shalt  }
0x77: {  	_ =	shalt  }
0x78: {  	_ =	shalt  }
0x79: {  	_ =	shalt  }
0x7a: {  	_ =	shalt  }
0x7b: {  	_ =	shalt  }
0x7c: {  	_ =	shalt  }
0x7d: {  	_ =	shalt  }
0x7e: {  	_ =	shalt  }
0x7f: {  	_ =	shalt  }
0x80: {  	_ =	shalt  }
0x81: {  	_ =	shalt  }
0x82: {  	_ =	shalt  }
0x83: {  	_ =	shalt  }
0x84: {  	_ =	shalt  }
0x85: {  	_ =	shalt  }
0x86: {  	_ =	shalt  }
0x87: {  	_ =	shalt  }
.Lfunc_end0:
.L_simem_size_0:
called_computation.1_lowered:
.L_overlay_start_0:
0x88: {  	s2 =	sld [smem:$0x3FD9]  }
0x89: {  	s3 =	sld [smem:$0x3FFE];
	_ =	sdelay $0x1  }
0x8a: {  	s1 =	srdreg.scid  }
0x8b: {  	s0 =	sand.u32 $0x1, s1  }
0x8c: {  	s17 =	sshll.u32 s0, $0xA;
	s2 =	sadd.s32 s3, s2  }
0x8d: {  	s2 =	sadd.s32 s2, s17  }
0x8e: {  	[smem:$0x3FC6] =	sst s2  }
0x8f: {  	_ = 	snop  }
0x90: {  	s2 =	sld [smem:$0x3FD0];
	(tm) =	ssettm $0x1  }
0x91: {  	s18 =	sld [smem:$0x3FFB];
	_ =	sdelay $0x3  }
0x92: {  	_ =	strace s18  }
0x93: {  	s3 =	sld [smem:$0x3FFC];
	_ =	sdelay $0x3  }
0x94: {  	_ =	strace s3  }
0x95: {  	s3 =	sld [smem:$0x3FFD];
	_ =	sdelay $0x3  }
0x96: {  	_ =	strace s3  }
0x97: {  	_ =	strace $0x8FFFFFFF  }
0x98: {  	s19 =	sld [smem:$0x3FDB];
	_ =	sdelay $0x1  }
0x99: {  	s4 =	simm.s32 $_scs_section_size  }
0x9a: {  	s5 =	simm.s32 $_size__tile_overlayer_lowered;
	s6 =	simm.s32 $_tile_overlayer_lowered  }
0x9b: {  	s22 =	simm.s32 $0x1BFF;
	s21 =	sshll.u32 s6, $0x1;
	s3 =	sadd.s32 s4, s19  }
0x9c: {  	s7 =	simm.s32 $0x0;
	s20 =	sshll.u32 s5, $0x1;
	s5 =	sadd.s32 s21, s3  }
0x9d: {  	[timem:s7], [sflag:s22] =	dma.local [hbm:s5], s20  }
0x9e: {  	_ =	swait.ge [sflag:s22], s20  }
0x9f: {  	s4 =	ssub.s32 $0x0, s20;
	[sflag:s22] =	ssyncset.done $0x0  }
0xa0: {  	[sflag:s22] =	ssyncadd.s32 s4;
	_ =	sdelay $0x1  }
0xa1: {  	s23 =	simm.s32 $0x1B8B  }
0xa2: {  	_ =	swait.ge [sflag:s23], $0x1  }
0xa3: {  	[sflag:s23] =	ssyncset.done $0x0  }
0xa4: {  	s25 =	simm.s32 $0x1B8E;
	s24 =	sld [smem:$0x3FFE];
	[sflag:s23] =	ssyncadd.s32 $0xFFFFFFFF  }
0xa5: {  	s26 =	simm.s32 $execute0_lowered;
	[smem:$0x3FD2] =	sst s25  }
0xa6: {  	s5 =	sshll.u32 s26, $0x1;
	_ =	strace $0x80000046;
	[dreg:$0x1] =	wrdreg $0xFFFFFFFF  }
0xa7: {  	s28 =	simm.s32 $_size_execute0_lowered;
	s3 =	sadd.s32 s3, s5;
	[dreg:$0x0] =	wrdreg $0x0  }
0xa8: {  	s5 =	sshll.u32 s28, $0x1;
	[dreg:$0x2] =	wrdreg s3  }
0xa9: {  	[dreg:$0x3] =	wrdreg s5  }
0xaa: {  	[dreg:$0x4] =	wrdreg $0xC0  }
0xab: {  	_ =	task [dreg:s7], $0x5FFFF  }
0xac: {  	[dreg:$0x1] =	wrdreg $0xFFFFFFFF  }
0xad: {  	[dreg:$0x0] =	wrdreg $0x60  }
0xae: {  	[dreg:$0x2] =	wrdreg s24  }
0xaf: {  	[dreg:$0x3] =	wrdreg s2  }
0xb0: {  	[dreg:$0x4] =	wrdreg $0x12C000  }
0xb1: {  	[dreg:$0x5] =	wrdreg $0x9  }
0xb2: {  	_ =	task.clear_ibuf [dreg:s7], $0x6FFFF;
	_ =	strace $0x90000046  }
0xb3: {  	s29 =	simm.s32 $0x9;
	_ =	strace $0x80000048  }
0xb4: {  	_ =	swait.ge [sflag:s29], $0x1  }
0xb5: {  	[sflag:s29] =	ssyncadd.s32 $0xFFFFFFFF  }
0xb6: {  	_ =	strace $0x90000048  }
0xb7: {  	_ =	sfence  }
0xb8: {  	s30 =	sld [smem:$0x0];
	_ =	sdelay $0x2  }
0xb9: {  	s31 =	sshll.u32 s1, $0xD;
	s1 =	sshrl.u32 s1, $0x2  }
0xba: {  	s3 =	sand.u32 $0x4000, s31;
	s1 =	sadd.s32 s1, s30  }
0xbb: {  	s0 =	sor.u32 s3, s0;
	s1 =	sshll.u32 s1, $0x11  }
0xbc: {  	s0 =	sor.u32 s1, s0  }
0xbd: {  	s0 =	sadd.s32 $0x8F2B, s0  }
0xbe: {  	[sflag:s0] =	ssyncadd.remote.s32 $0x1  }
0xbf: {  	_ =	sfence.sel $0xFFFF  }
0xc0: {  	[dreg:$0x0] =	wrdreg $0xFFFFFFFF;
	(pc) =	sbr.abs _section_cstart, $3  }
0xc1: {  	[dreg:$0x1] =	wrdreg $0xFFFFFFFF  }
0xc2: {  	_ =	task.clear_ibuf [dreg:s7], $0x2FFFF;
	_ =	strace $0x9FFFFFFF  }
0xc3: {  	(tm) =	ssettm $0x7FFFFFFF  }
tec
execute0_lowered:
.L_overlay_start_1:
0x0: {  	(tag) =	ssettag $0x1  }
0x1: {  	s3 =	rddreg [dreg:$0x0]  }
0x2: {  	s0 =	srdreg.scid;
	s6 =	rddreg [dreg:$0x1]  }
0x3: {  	s7 =	stileid.u32;
	s1 =	rddreg [dreg:$0x2]  }
0x4: {  	s14 =	simm.s32 $0xFA00;
	s15 =	simm.s32 $0x1;
	s16 =	simm.s32 $0x4  }
0x5: {  	s17 =	simm.s32 $0x5;
	s18 =	simm.s32 $0x6;
	s19 =	simm.s32 $0x7  }
0x6: {  	s20 =	simm.s32 $0x8;
	s21 =	simm.s32 $0x0;
	s5 =	sand.u32 $0x1, s0  }
0x7: {  	s26 =	sshll.u32 s7, $0x8;
	s28 =	sadd.s32 $0x19A00, s3;
	s12 =	smul.u32 $0x64000, s7  }
0x8: {  	p0 =	sne.s32 s7, $0x0;
	s2 =	sshll.u32 s5, $0x7;
	s9 =	ssub.s32 $0x2, s5  }
0x9: {  	s30 =	smul.u32 $0x32000, s5;
	s7 =	sshrl.u32 @!p0 s1, $0x3;
	s4 =	sor.u32 s2, s26  }
0xa: {  	s2 =	simm.s32 $0x0;
	s10 =	sshrl.u32 s9, $0x1;
	s8 =	smul.u32 $0x19, s4  }
0xb: {  	[smem:$0x7FF] =	sst s2;
	s4 =	smul.u32 $0x640, s4;
	s9 =	ssub.s32 s9, s10  }
0xc: {  	s10 =	simm.s32 $0x6400;
	_ =	strace $0x80000047;
	[dreg:$0x6] =	wrdreg s28  }
0xd: {  	s5 =	smax.u32 s9, $0x1;
	s9 =	simm.s32 $0xC8;
	s11 =	sadd.s32 s6, s4  }
0xe: {  	s8 =	sadd.s32 s8, s3;
	s6 =	sadd.s32 s12, s6;
	s29 =	sadd.s32 $0x31380, s11  }
0xf: {  	s4 =	sadd.s32 $0xA00, s8;
	s31 =	sadd.s32 $0x30D40, s11;
	[dreg:$0x5] =	wrdreg s29  }
0x10: {  	s6 =	sadd.s32 s30, s6;
	s8 =	simm.s32 $0x9;
	[dreg:$0x4] =	wrdreg s31  }
.LBB2_1:
0x11: {  	s22 =	simm.s32 @!p0 $0x1C09;
	s0 =	rddreg [dreg:$0x6]  }
0x12: {  	[spmem:s7], [sflag:s22] =	dma.local @!p0 [hbm:s0], $0x10000  }
0x13: {  	s22 =	simm.s32 @!p0 $0x9  }
0x14: {  	_ =	swait.ge @!p0 [sflag:s22], $0x10000  }
0x15: {  	[sflag:s22] =	ssyncset.done @!p0 $0x0  }
0x16: {  	[sflag:s22] =	ssyncadd.s32 @!p0 $0xFFFF0000  }
0x17: {  	[bflag:$0x0] =	sbarrier.arrive $0xFFFF  }
0x18: {  	[tilespmem:s2], [sflag:$0x9] =	stream.linear.gather [hbm4b:s4+s2], $0x6400, $0x38;
	[tilespmem:$0x1AC00] =	vst v63  }
0x19: {  	_ =	swait.ge [sflag:s8], $0x6400  }
0x1a: {  	[sflag:s8] =	ssyncset.done $0x0  }
0x1b: {  	[sflag:s8] =	ssyncadd.s32 $0xFFFF9C00  }
0x1c: {  	[tilespmem:s10], [sflag:$0x1] =	stream.indirect.gather [spmem:s1], $0x40, s2, s9, $0xb8;
	[tilespmem:$0x1AC00] =	vst v63  }
0x1d: {  	s30 =	simm.s32 $0x9600;
	p1 =	por $0x1, $0x1  }
0x1e: {  	[tilespmem:s30], [sflag:$0x2] =	stream.indirect.gather [spmem:s1], $0x40, s9, s9, $0xb8;
	[tilespmem:$0x1AC00] =	vst v63  }
0x1f: {  	s31 =	simm.s32 $0x190;
	s3 =	simm.s32 $0xC800;
	s22 =	simm.s32 @!p1 $0x8  }
0x20: {  	[tilespmem:s3], [sflag:$0x3] =	stream.indirect.gather [spmem:s1], $0x40, s31, s9, $0xb8;
	[tilespmem:$0x1AC00] =	vst v63  }
0x21: {  	_ =	swait.ge @!p1 [sflag:s22], $0x3200  }
0x22: {  	[sflag:s22] =	ssyncset.done @!p1 $0x0  }
0x23: {  	s23 =	simm.s32 $0x258;
	[sflag:s22] =	ssyncadd.s32 @!p1 $0xFFFFCE00  }
0x24: {  	[tilespmem:s14], [sflag:$0x4] =	stream.indirect.gather [spmem:s1], $0x40, s23, s9, $0xb8;
	[tilespmem:$0x1AC00] =	vst v63  }
0x25: {  	_ =	swait.ge [sflag:s15], $0x3200  }
0x26: {  	p1 =	por $0x0, $0x0;
	[sflag:s15] =	ssyncset.done $0x0  }
0x27: {  	s22 =	simm.s32 @p1 $0x2;
	[sflag:s15] =	ssyncadd.s32 $0xFFFFCE00  }
0x28: {  	[hbm4b:s6+s2] =	stream.linear.scatter [tilespmem:s10], [sflag:$0x5], $0x3200, $0x38;
	[tilespmem:$0x1AC00] =	vst v63  }
0x29: {  	_ =	swait.ge @p1 [sflag:s22], $0x3200  }
0x2a: {  	s24 =	simm.s32 @p1 $0x9600;
	s25 =	simm.s32 @p1 $0x3;
	[sflag:s22] =	ssyncset.done @p1 $0x0  }
0x2b: {  	s23 =	rddreg [dreg:$0x4];
	[sflag:s22] =	ssyncadd.s32 @p1 $0xFFFFCE00;
	s22 =	simm.s32 @p1 $0x0  }
0x2c: {  	[hbm4b:s23+s22] =	stream.linear.scatter @p1 [tilespmem:s24], [sflag:$0x6], $0x3200, $0x38;
	[tilespmem:$0x1AC00] =	vst v63  }
0x2d: {  	_ =	swait.ge @p1 [sflag:s25], $0x3200  }
0x2e: {  	s24 =	simm.s32 @p1 $0xC800;
	[sflag:s25] =	ssyncset.done @p1 $0x0  }
0x2f: {  	s23 =	rddreg [dreg:$0x5];
	[sflag:s25] =	ssyncadd.s32 @p1 $0xFFFFCE00;
	s25 =	simm.s32 @!p1 $0x5  }
0x30: {  	[hbm4b:s23+s22] =	stream.linear.scatter @p1 [tilespmem:s24], [sflag:$0x7], $0x3200, $0x38;
	[tilespmem:$0x1AC00] =	vst v63  }
0x31: {  	_ =	swait.ge @!p1 [sflag:s25], $0x3200  }
0x32: {  	s26 =	simm.s32 @!p1 $0xC8;
	s22 =	simm.s32 @!p1 $0x320;
	[sflag:s25] =	ssyncset.done @!p1 $0x0  }
0x33: {  	s23 =	simm.s32 @!p1 $0x6400;
	s24 =	simm.s32 @!p1 $0x2;
	[sflag:s25] =	ssyncadd.s32 @!p1 $0xFFFFCE00  }
0x34: {  	[tilespmem:s23], [sflag:$0x1] =	stream.indirect.gather @!p1 [spmem:s1], $0x40, s22, s26, $0xb8;
	[tilespmem:$0x1AC00] =	vst v63  }
0x35: {  	_ =	swait.ge @!p1 [sflag:s24], $0x3200  }
0x36: {  	s25 =	simm.s32 @!p1 $0x0;
	s22 =	simm.s32 @!p1 $0x9600;
	[sflag:s24] =	ssyncset.done @!p1 $0x0  }
0x37: {  	s23 =	sadd.s32 @!p1 $0x640, s6;
	[sflag:s24] =	ssyncadd.s32 @!p1 $0xFFFFCE00;
	s24 =	simm.s32 @!p1 $0x6  }
0x38: {  	[hbm4b:s23+s25] =	stream.linear.scatter @!p1 [tilespmem:s22], [sflag:$0x6], $0x3200, $0x38;
	[tilespmem:$0x1AC00] =	vst v63  }
0x39: {  	_ =	swait.ge @!p1 [sflag:s24], $0x3200  }
0x3a: {  	[sflag:s24] =	ssyncset.done @!p1 $0x0  }
0x3b: {  	s23 =	simm.s32 @!p1 $0x3E8;
	[sflag:s24] =	ssyncadd.s32 @!p1 $0xFFFFCE00;
	s24 =	simm.s32 @!p1 $0x3  }
0x3c: {  	[tilespmem:s22], [sflag:$0x2] =	stream.indirect.gather @!p1 [spmem:s1], $0x40, s23, s26, $0xb8;
	[tilespmem:$0x1AC00] =	vst v63  }
0x3d: {  	_ =	swait.ge @!p1 [sflag:s24], $0x3200  }
0x3e: {  	s28 =	simm.s32 @!p1 $0xC800;
	[sflag:s24] =	ssyncset.done @!p1 $0x0  }
0x3f: {  	s29 =	simm.s32 @!p1 $0x7;
	s22 =	sadd.s32 @!p1 $0xC80, s6;
	[sflag:s24] =	ssyncadd.s32 @!p1 $0xFFFFCE00  }
0x40: {  	[hbm4b:s22+s25] =	stream.linear.scatter @!p1 [tilespmem:s28], [sflag:$0x7], $0x3200, $0x38;
	[tilespmem:$0x1AC00] =	vst v63  }
0x41: {  	_ =	swait.ge @!p1 [sflag:s29], $0x3200  }
0x42: {  	p2 =	por $0x0, $0x0;
	[sflag:s29] =	ssyncset.done @!p1 $0x0  }
0x43: {  	s23 =	sadd.s32 $0x1900, s6;
	s22 =	simm.s32 @!p1 $0x4B0;
	[sflag:s29] =	ssyncadd.s32 @!p1 $0xFFFFCE00  }
0x44: {  	[tilespmem:s28], [sflag:$0x3] =	stream.indirect.gather @!p1 [spmem:s1], $0x40, s22, s26, $0xb8;
	[tilespmem:$0x1AC00] =	vst v63  }
0x45: {  	s24 =	simm.s32 $0xC80;
	s25 =	sadd.s32 $0x12C0, s6;
	s26 =	simm.s32 $0x1900  }
0x46: {  	s22 =	sadd.s32 $0x12C0, s23;
	s28 =	sadd.s32 $0x1900, s23;
	_ =	swait.ge [sflag:s16], $0x3200  }
.LBB2_2:
0x47: {  	[sflag:s16] =	ssyncset.done $0x0  }
0x48: {  	s29 =	simm.s32 @!p2 $0x8;
	[sflag:s16] =	ssyncadd.s32 $0xFFFFCE00  }
0x49: {  	[hbm4b:s25+s2] =	stream.linear.scatter [tilespmem:s14], [sflag:$0x8], $0x3200, $0x38;
	[tilespmem:$0x1AC00] =	vst v63  }
0x4a: {  	_ =	swait.ge @!p2 [sflag:s29], $0x3200  }
0x4b: {  	s0 =	sshra.s32 s24, $0x2;
	[sflag:s29] =	ssyncset.done @!p2 $0x0  }
0x4c: {  	s0 =	sadd.s32 $0x258, s0;
	[sflag:s29] =	ssyncadd.s32 @!p2 $0xFFFFCE00  }
0x4d: {  	[tilespmem:s14], [sflag:$0x4] =	stream.indirect.gather [spmem:s1], $0x40, s0, s9, $0xb8;
	[tilespmem:$0x1AC00] =	vst v63  }
0x4e: {  	_ =	swait.ge [sflag:s15], $0x3200  }
0x4f: {  	p2 =	seq.s32 s24, $0x18380;
	[sflag:s15] =	ssyncset.done $0x0  }
0x50: {  	s0 =	simm.s32 @p2 $0x2;
	[sflag:s15] =	ssyncadd.s32 $0xFFFFCE00  }
0x51: {  	[hbm4b:s23+s2] =	stream.linear.scatter [tilespmem:s10], [sflag:$0x5], $0x3200, $0x38;
	[tilespmem:$0x1AC00] =	vst v63  }
0x52: {  	s30 =	smov.u32 s26;
	_ =	swait.ge @p2 [sflag:s0], $0x3200  }
0x53: {  	s13 =	simm.s32 @p2 $0x9600;
	s3 =	simm.s32 @p2 $0x3;
	[sflag:s0] =	ssyncset.done @p2 $0x0  }
0x54: {  	s12 =	rddreg [dreg:$0x4];
	[sflag:s0] =	ssyncadd.s32 @p2 $0xFFFFCE00;
	s0 =	simm.s32 @p2 $0x0  }
0x55: {  	[hbm4b:s12+s0] =	stream.linear.scatter @p2 [tilespmem:s13], [sflag:$0x6], $0x3200, $0x38;
	[tilespmem:$0x1AC00] =	vst v63  }
0x56: {  	s31 =	sadd.s32 $0x12C0, s28;
	s25 =	smov.u32 s22;
	_ =	swait.ge @p2 [sflag:s3], $0x3200  }
0x57: {  	s24 =	sshra.s32 @!p2 s24, $0x2;
	s13 =	simm.s32 @!p2 $0x5;
	[sflag:s3] =	ssyncset.done @p2 $0x0  }
0x58: {  	s12 =	rddreg [dreg:$0x5];
	[sflag:s3] =	ssyncadd.s32 @p2 $0xFFFFCE00;
	s3 =	simm.s32 @p2 $0xC800  }
0x59: {  	[hbm4b:s12+s0] =	stream.linear.scatter @p2 [tilespmem:s3], [sflag:$0x7], $0x3200, $0x38;
	[tilespmem:$0x1AC00] =	vst v63  }
0x5a: {  	s22 =	smov.u32 s31;
	s31 =	sadd.s32 @!p2 $0x320, s24;
	_ =	swait.ge @!p2 [sflag:s13], $0x3200  }
0x5b: {  	s11 =	sadd.s32 @!p2 $0x3E8, s24;
	s0 =	simm.s32 @!p2 $0xC8;
	[sflag:s13] =	ssyncset.done @!p2 $0x0  }
0x5c: {  	s3 =	simm.s32 @!p2 $0x6400;
	s12 =	simm.s32 @!p2 $0x2;
	[sflag:s13] =	ssyncadd.s32 @!p2 $0xFFFFCE00  }
0x5d: {  	[tilespmem:s3], [sflag:$0x1] =	stream.indirect.gather @!p2 [spmem:s1], $0x40, s31, s0, $0xb8;
	[tilespmem:$0x1AC00] =	vst v63  }
0x5e: {  	s29 =	sadd.s32 @!p2 $0x4B0, s24;
	s24 =	smov.u32 s30;
	_ =	swait.ge @!p2 [sflag:s12], $0x3200  }
0x5f: {  	s30 =	simm.s32 @!p2 $0x0;
	s13 =	sadd.s32 @!p2 $0x640, s23;
	[sflag:s12] =	ssyncset.done @!p2 $0x0  }
0x60: {  	s3 =	simm.s32 @!p2 $0x9600;
	[sflag:s12] =	ssyncadd.s32 @!p2 $0xFFFFCE00;
	s12 =	simm.s32 @!p2 $0x6  }
0x61: {  	[hbm4b:s13+s30] =	stream.linear.scatter @!p2 [tilespmem:s3], [sflag:$0x6], $0x3200, $0x38;
	[tilespmem:$0x1AC00] =	vst v63  }
0x62: {  	_ =	swait.ge @!p2 [sflag:s12], $0x3200  }
0x63: {  	[sflag:s12] =	ssyncset.done @!p2 $0x0  }
0x64: {  	[sflag:s12] =	ssyncadd.s32 @!p2 $0xFFFFCE00;
	s12 =	simm.s32 @!p2 $0x3  }
0x65: {  	[tilespmem:s3], [sflag:$0x2] =	stream.indirect.gather @!p2 [spmem:s1], $0x40, s11, s0, $0xb8;
	[tilespmem:$0x1AC00] =	vst v63  }
0x66: {  	s26 =	sadd.s32 $0xC80, s26;
	_ =	swait.ge @!p2 [sflag:s12], $0x3200  }
0x67: {  	p1 =	sne.s32 s26, $0x19000;
	s3 =	sadd.s32 @!p2 $0xC80, s23;
	[sflag:s12] =	ssyncset.done @!p2 $0x0  }
0x68: {  	s11 =	simm.s32 @!p2 $0xC800;
	[sflag:s12] =	ssyncadd.s32 @!p2 $0xFFFFCE00;
	s12 =	simm.s32 @!p2 $0x7  }
0x69: {  	[hbm4b:s3+s30] =	stream.linear.scatter @!p2 [tilespmem:s11], [sflag:$0x7], $0x3200, $0x38;
	[tilespmem:$0x1AC00] =	vst v63  }
.Ltmp0:
0x6a: {  	_ =	swait.ge @!p2 [sflag:s12], $0x3200;
	(pc) =	sbr.rel @p1 .LBB2_2-.Ltmp0, $4  }
0x6b: {  	[sflag:s12] =	ssyncset.done @!p2 $0x0  }
0x6c: {  	s23 =	smov.u32 s28;
	[sflag:s12] =	ssyncadd.s32 @!p2 $0xFFFFCE00  }
0x6d: {  	[tilespmem:s11], [sflag:$0x3] =	stream.indirect.gather @!p2 [spmem:s1], $0x40, s29, s0, $0xb8;
	[tilespmem:$0x1AC00] =	vst v63  }
0x6e: {  	s28 =	sadd.s32 $0x1900, s28;
	p2 =	seq.s32 s24, $0x0;
	_ =	swait.ge [sflag:s16], $0x3200  }
0x6f: {  	[sflag:s16] =	ssyncset.done $0x0  }
0x70: {  	s0 =	simm.s32 @!p2 $0x8;
	[sflag:s16] =	ssyncadd.s32 $0xFFFFCE00  }
0x71: {  	[hbm4b:s25+s2] =	stream.linear.scatter [tilespmem:s14], [sflag:$0x8], $0x3200, $0x38;
	[tilespmem:$0x1AC00] =	vst v63  }
0x72: {  	_ =	swait.ge @!p2 [sflag:s0], $0x3200  }
0x73: {  	s3 =	sshra.s32 s24, $0x2;
	[sflag:s0] =	ssyncset.done @!p2 $0x0  }
0x74: {  	s3 =	sadd.s32 $0x258, s3;
	[sflag:s0] =	ssyncadd.s32 @!p2 $0xFFFFCE00  }
0x75: {  	[tilespmem:s14], [sflag:$0x4] =	stream.indirect.gather [spmem:s1], $0x40, s3, s9, $0xb8;
	[tilespmem:$0x1AC00] =	vst v63  }
0x76: {  	_ =	swait.ge [sflag:s15], $0x3200  }
0x77: {  	p1 =	seq.s32 s24, $0x18380;
	[sflag:s15] =	ssyncset.done $0x0  }
0x78: {  	s0 =	simm.s32 @p1 $0x2;
	[sflag:s15] =	ssyncadd.s32 $0xFFFFCE00  }
0x79: {  	[hbm4b:s23+s2] =	stream.linear.scatter [tilespmem:s10], [sflag:$0x5], $0x3200, $0x38;
	[tilespmem:$0x1AC00] =	vst v63  }
0x7a: {  	_ =	swait.ge @p1 [sflag:s0], $0x3200  }
0x7b: {  	s11 =	simm.s32 @p1 $0x9600;
	s12 =	simm.s32 @p1 $0x3;
	[sflag:s0] =	ssyncset.done @p1 $0x0  }
0x7c: {  	s3 =	rddreg [dreg:$0x4];
	[sflag:s0] =	ssyncadd.s32 @p1 $0xFFFFCE00;
	s0 =	simm.s32 @p1 $0x0  }
0x7d: {  	[hbm4b:s3+s0] =	stream.linear.scatter @p1 [tilespmem:s11], [sflag:$0x6], $0x3200, $0x38;
	[tilespmem:$0x1AC00] =	vst v63  }
0x7e: {  	_ =	swait.ge @p1 [sflag:s12], $0x3200  }
0x7f: {  	s11 =	simm.s32 @p1 $0xC800;
	[sflag:s12] =	ssyncset.done @p1 $0x0  }
0x80: {  	s3 =	rddreg [dreg:$0x5];
	[sflag:s12] =	ssyncadd.s32 @p1 $0xFFFFCE00;
	s12 =	simm.s32 @!p1 $0x5  }
0x81: {  	[hbm4b:s3+s0] =	stream.linear.scatter @p1 [tilespmem:s11], [sflag:$0x7], $0x3200, $0x38;
	[tilespmem:$0x1AC00] =	vst v63  }
0x82: {  	s13 =	simm.s32 @!p1 $0x6400;
	_ =	swait.ge @!p1 [sflag:s12], $0x3200  }
0x83: {  	s0 =	sshra.s32 @!p1 s24, $0x2;
	s11 =	simm.s32 @!p1 $0xC8;
	[sflag:s12] =	ssyncset.done @!p1 $0x0  }
0x84: {  	s3 =	sadd.s32 @!p1 $0x320, s0;
	[sflag:s12] =	ssyncadd.s32 @!p1 $0xFFFFCE00;
	s12 =	simm.s32 @!p1 $0x2  }
0x85: {  	[tilespmem:s13], [sflag:$0x1] =	stream.indirect.gather @!p1 [spmem:s1], $0x40, s3, s11, $0xb8;
	[tilespmem:$0x1AC00] =	vst v63  }
0x86: {  	_ =	swait.ge @!p1 [sflag:s12], $0x3200  }
0x87: {  	s24 =	simm.s32 @!p1 $0x0;
	s3 =	simm.s32 @!p1 $0x9600;
	[sflag:s12] =	ssyncset.done @!p1 $0x0  }
0x88: {  	s13 =	sadd.s32 @!p1 $0x640, s23;
	[sflag:s12] =	ssyncadd.s32 @!p1 $0xFFFFCE00;
	s12 =	simm.s32 @!p1 $0x6  }
0x89: {  	[hbm4b:s13+s24] =	stream.linear.scatter @!p1 [tilespmem:s3], [sflag:$0x6], $0x3200, $0x38;
	[tilespmem:$0x1AC00] =	vst v63  }
0x8a: {  	_ =	swait.ge @!p1 [sflag:s12], $0x3200  }
0x8b: {  	[sflag:s12] =	ssyncset.done @!p1 $0x0  }
0x8c: {  	s13 =	sadd.s32 @!p1 $0x3E8, s0;
	[sflag:s12] =	ssyncadd.s32 @!p1 $0xFFFFCE00;
	s12 =	simm.s32 @!p1 $0x3  }
0x8d: {  	[tilespmem:s3], [sflag:$0x2] =	stream.indirect.gather @!p1 [spmem:s1], $0x40, s13, s11, $0xb8;
	[tilespmem:$0x1AC00] =	vst v63  }
0x8e: {  	_ =	swait.ge @!p1 [sflag:s12], $0x3200  }
0x8f: {  	s3 =	sadd.s32 @!p1 $0xC80, s23;
	[sflag:s12] =	ssyncset.done @!p1 $0x0  }
0x90: {  	s13 =	simm.s32 @!p1 $0xC800;
	[sflag:s12] =	ssyncadd.s32 @!p1 $0xFFFFCE00;
	s12 =	simm.s32 @!p1 $0x7  }
0x91: {  	[hbm4b:s3+s24] =	stream.linear.scatter @!p1 [tilespmem:s13], [sflag:$0x7], $0x3200, $0x38;
	[tilespmem:$0x1AC00] =	vst v63  }
0x92: {  	_ =	swait.ge @!p1 [sflag:s12], $0x3200  }
0x93: {  	[sflag:s12] =	ssyncset.done @!p1 $0x0  }
0x94: {  	s0 =	sadd.s32 @!p1 $0x4B0, s0;
	[sflag:s12] =	ssyncadd.s32 @!p1 $0xFFFFCE00  }
0x95: {  	[tilespmem:s13], [sflag:$0x3] =	stream.indirect.gather @!p1 [spmem:s1], $0x40, s0, s11, $0xb8;
	[tilespmem:$0x1AC00] =	vst v63  }
0x96: {  	_ =	swait.ge [sflag:s16], $0x3200  }
0x97: {  	[sflag:s16] =	ssyncset.done $0x0  }
0x98: {  	[sflag:s16] =	ssyncadd.s32 $0xFFFFCE00  }
0x99: {  	[hbm4b:s22+s2] =	stream.linear.scatter [tilespmem:s14], [sflag:$0x8], $0x3200, $0x38;
	[tilespmem:$0x1AC00] =	vst v63  }
0x9a: {  	_ =	swait.ge [sflag:s17], $0x3200  }
0x9b: {  	[sflag:s17] =	ssyncset.done $0x0  }
0x9c: {  	[sflag:s17] =	ssyncadd.s32 $0xFFFFCE00  }
0x9d: {  	_ =	swait.ge [sflag:s18], $0x3200  }
0x9e: {  	[sflag:s18] =	ssyncset.done $0x0  }
0x9f: {  	s21 =	sadd.s32 $0x1, s21;
	[sflag:s18] =	ssyncadd.s32 $0xFFFFCE00  }
0xa0: {  	p1 =	sne.s32 s21, s5;
	_ =	swait.ge [sflag:s19], $0x3200  }
.Ltmp1:
0xa1: {  	[sflag:s19] =	ssyncset.done $0x0;
	(pc) =	sbr.rel @p1 .LBB2_1-.Ltmp1, $4  }
0xa2: {  	[sflag:s19] =	ssyncadd.s32 $0xFFFFCE00  }
0xa3: {  	_ =	swait.ge [sflag:s20], $0x3200  }
0xa4: {  	[sflag:s20] =	ssyncset.done $0x0  }
0xa5: {  	[sflag:s20] =	ssyncadd.s32 $0xFFFFCE00  }
0xa6: {  	_ =	sfence.sel $0x180000  }
0xa7: {  	[bflag:$0x0] =	sbarrier.arrive $0xFFFF  }
0xa8: {  	_ =	strace $0x90000047  }
0xa9: {  	[bflag:$0x2] =	sbarrier.arrive $0xFFFF  }
0xaa: {  	s0 =	rddreg [dreg:$0x3]  }
0xab: {  	s0 =	sadd.s32 @!p0 $0x100000, s0  }
0xac: {  	[sflag:s0] =	ssyncadd.tile.s32 @!p0 $0x1;
	_ =	shalt  }
.Lfunc_end2:
_tile_overlayer_lowered:
.L_overlay_start_2:
0xad: {  	(tag) =	ssettag $0x2  }
0xae: {  	s0 =	rddreg [dreg:$0x0];
	s2 =	stileid.u32  }
0xaf: {  	s1 =	rddreg [dreg:$0x1];
	p0 =	sne.s32 s2, $0x0  }
0xb0: {  	s3 =	rddreg [dreg:$0x2];
	[bflag:$0x3] =	sbarrier.arrive $0xFFFF;
	s2 =	simm.s32 @!p0 $0x1C09  }
0xb1: {  	[timem:s3], [sflag:s2] =	dma.local @!p0 [hbm:s0], s1  }
0xb2: {  	s0 =	simm.s32 @!p0 $0x9  }
0xb3: {  	_ =	swait.ge @!p0 [sflag:s0], s1  }
0xb4: {  	s1 =	ssub.s32 @!p0 $0x0, s1;
	[sflag:s0] =	ssyncset.done @!p0 $0x0  }
0xb5: {  	[sflag:s0] =	ssyncadd.s32 @!p0 s1  }
0xb6: {  	[bflag:$0x3] =	sbarrier.arrive $0xFFFF  }
0xb7: {  	_ =	shalt  }

// kernel: sparse-core-data-format-call.cloned.1.call-start
scs
called_computation_lowered:
.L_overlay_start_0:
0x0: {  	s2 =	sld [smem:$0x3FD9]  }
0x1: {  	s3 =	sld [smem:$0x3FFE];
	_ =	sdelay $0x1  }
0x2: {  	s1 =	srdreg.scid  }
0x3: {  	s0 =	sand.u32 $0x1, s1  }
0x4: {  	s18 =	sshll.u32 s0, $0xA;
	s2 =	sadd.s32 s3, s2  }
0x5: {  	s2 =	sadd.s32 s2, s18  }
0x6: {  	[smem:$0x3FC6] =	sst s2  }
0x7: {  	_ = 	snop  }
0x8: {  	s2 =	sld [smem:$0x3FD0];
	(tm) =	ssettm $0x1  }
0x9: {  	s19 =	sld [smem:$0x3FFB];
	_ =	sdelay $0x3  }
0xa: {  	_ =	strace s19  }
0xb: {  	s3 =	sld [smem:$0x3FFC];
	_ =	sdelay $0x3  }
0xc: {  	_ =	strace s3  }
0xd: {  	s3 =	sld [smem:$0x3FFD];
	_ =	sdelay $0x3  }
0xe: {  	_ =	strace s3  }
0xf: {  	_ =	strace $0x8FFFFFFF  }
0x10: {  	s20 =	sld [smem:$0x3FDB];
	_ =	sdelay $0x1  }
0x11: {  	s4 =	simm.s32 $_scs_section_size  }
0x12: {  	s5 =	simm.s32 $_size__tile_overlayer_lowered;
	s6 =	simm.s32 $_tile_overlayer_lowered  }
0x13: {  	s23 =	simm.s32 $0x1BFF;
	s22 =	sshll.u32 s6, $0x1;
	s3 =	sadd.s32 s4, s20  }
0x14: {  	s7 =	simm.s32 $0x0;
	s21 =	sshll.u32 s5, $0x1;
	s5 =	sadd.s32 s22, s3  }
0x15: {  	[timem:s7], [sflag:s23] =	dma.local [hbm:s5], s21  }
0x16: {  	_ =	swait.ge [sflag:s23], s21  }
0x17: {  	s4 =	ssub.s32 $0x0, s21;
	[sflag:s23] =	ssyncset.done $0x0  }
0x18: {  	[sflag:s23] =	ssyncadd.s32 s4;
	_ =	sdelay $0x1  }
0x19: {  	s24 =	simm.s32 $0x1B8B  }
0x1a: {  	_ =	swait.ge [sflag:s24], $0x1  }
0x1b: {  	[sflag:s24] =	ssyncset.done $0x0  }
0x1c: {  	s26 =	simm.s32 $0x1B8E;
	s25 =	sld [smem:$0x3FFE];
	[sflag:s24] =	ssyncadd.s32 $0xFFFFFFFF  }
0x1d: {  	s27 =	simm.s32 $execute0_lowered;
	[smem:$0x3FD2] =	sst s26  }
0x1e: {  	s5 =	sshll.u32 s27, $0x1;
	_ =	strace $0x80000049;
	[dreg:$0x1] =	wrdreg $0xFFFFFFFF  }
0x1f: {  	s28 =	simm.s32 $_size_execute0_lowered;
	s3 =	sadd.s32 s3, s5;
	[dreg:$0x0] =	wrdreg $0x0  }
0x20: {  	s5 =	sshll.u32 s28, $0x1;
	[dreg:$0x2] =	wrdreg s3  }
0x21: {  	[dreg:$0x3] =	wrdreg s5  }
0x22: {  	[dreg:$0x4] =	wrdreg $0xC0  }
0x23: {  	_ =	task [dreg:s7], $0x5FFFF  }
0x24: {  	[dreg:$0x1] =	wrdreg $0xFFFFFFFF  }
0x25: {  	[dreg:$0x0] =	wrdreg $0x60  }
0x26: {  	[dreg:$0x2] =	wrdreg s25  }
0x27: {  	[dreg:$0x3] =	wrdreg s2  }
0x28: {  	[dreg:$0x4] =	wrdreg $0x9  }
0x29: {  	_ =	task.clear_ibuf [dreg:s7], $0x5FFFF;
	_ =	strace $0x90000049  }
0x2a: {  	s29 =	simm.s32 $0x9;
	_ =	strace $0x8000004B  }
0x2b: {  	_ =	swait.ge [sflag:s29], $0x1  }
0x2c: {  	[sflag:s29] =	ssyncadd.s32 $0xFFFFFFFF  }
0x2d: {  	_ =	strace $0x9000004B  }
0x2e: {  	_ =	sfence  }
0x2f: {  	s30 =	sld [smem:$0x0];
	_ =	sdelay $0x2  }
0x30: {  	s31 =	sshll.u32 s1, $0xD;
	s1 =	sshrl.u32 s1, $0x2  }
0x31: {  	s3 =	sand.u32 $0x4000, s31;
	s1 =	sadd.s32 s1, s30  }
0x32: {  	s0 =	sor.u32 s3, s0;
	s1 =	sshll.u32 s1, $0x11  }
0x33: {  	s0 =	sor.u32 s1, s0  }
0x34: {  	s0 =	sadd.s32 $0x8F2B, s0  }
0x35: {  	[sflag:s0] =	ssyncadd.remote.s32 $0x1  }
0x36: {  	_ =	sfence.sel $0xFFFF  }
0x37: {  	[dreg:$0x0] =	wrdreg $0xFFFFFFFF;
	(pc) =	sbr.abs _section_cstart, $3  }
0x38: {  	[dreg:$0x1] =	wrdreg $0xFFFFFFFF  }
0x39: {  	_ =	task.clear_ibuf [dreg:s7], $0x2FFFF;
	_ =	strace $0x9FFFFFFF  }
0x3a: {  	(tm) =	ssettm $0x7FFFFFFF  }
0x3b: {  	_ =	shalt  }
tec
execute0_lowered:
.L_overlay_start_1:
0x0: {  	(tag) =	ssettag $0x1  }
0x1: {  	s0 =	srdreg.scid  }
0x2: {  	s1 =	sshll.u32 s0, $0x4  }
0x3: {  	s0 =	stileid.u32;
	s1 =	sand.u32 $0x10, s1  }
0x4: {  	s1 =	sor.u32 s0, s1  }
0x5: {  	s6 =	rddreg [dreg:$0x0];
	s4 =	simm.s32 $0x1;
	s2 =	sshll.u32 s1, $0x7  }
0x6: {  	s7 =	simm.s32 $0x2;
	s12 =	simm.s32 $0x0;
	s1 =	ssub.s32 $0x1000, s2  }
0x7: {  	s8 =	simm.s32 $0x8000;
	s13 =	simm.s32 $0x0;
	s3 =	sand.u32 $0xF80, s1  }
0x8: {  	s9 =	simm.s32 $0x0;
	s5 =	sshrl.u32 s1, $0xC;
	p0 =	sne.s32 s3, $0x0  }
.Ltmp0:
0x9: {  	s1 =	rddreg [dreg:$0x2];
	s4 =	simm.s32 @!p0 $0x0;
	(pc) =	sbr.rel .LBB1_1-.Ltmp0, $4  }
0xa: {  	s11 =	simm.s32 $0x0;
	s3 =	rddreg [dreg:$0x1];
	s5 =	sadd.s32 s4, s5  }
0xb: {  	_ =	strace $0x8000004A;
	s4 =	simm.s32 $0x1;
	s5 =	smul.u32 $0xC8, s5  }
0xc: {  	s6 =	sadd.s32 $0xA00, s6;
	s10 =	smov.u32 s2;
	[sflag:s4] =	ssyncpa.u1 $0x0  }
0xd: {  	p0 =	por $0x0, $0x0;
	[sflag:s7] =	ssyncpa.u1 $0x0;
	s7 =	sor.u32 $0x1, s5  }
.LBB1_4:
0xe: {  	s16 =	sshll.u32 s13, $0x3;
	s17 =	sand.u32 $0x78, s13  }
0xf: {  	s30 =	sand.u32 $0x7E00, s13;
	s12 =	sshll.u32 s12, $0xF;
	s16 =	sand.u32 $0xC00, s16  }
0x10: {  	[tilespmem:s15+$0x810 ss:$0x81] =	vst.msk $0xffff, v2;
	s31 =	sand.u32 $0x7, s13;
	s16 =	sor.u32 s17, s16;
	s17 =	sadd.s32 s3, s30  }
0x11: {  	[tilespmem:s15+$0x1020 ss:$0x81] =	vst.msk $0xffff, v0;
	s13 =	sshll.u32 s31, $0x12;
	s12 =	sadd.s32 s12, s17;
	s16 =	sshrl.u32 s16, $0x3  }
0x12: {  	[tilespmem:s15+$0x0 ss:$0x81] =	vst.msk $0xffff, v1;
	s13 =	sor.u32 $0x400, s13;
	s12 =	sadd.s32 s16, s12  }
0x13: {  	[hbm4b:s12+s13] =	stream.strided.scatter [tilespmem:s14], [sflag:$0x2], $0x2000, s8, s13, $0x20;
	[tilespmem:$0x8080] =	vst v63  }
.LBB1_5:
0x14: {  	s14 =	sadd.s32 $0x1, s9  }
0x15: {  	s12 =	sadd.s32 $0x1000, s10;
	s16 =	smov.u32 s10;
	p2 =	sgt.s32 s14, $0xC7  }
0x16: {  	s16 =	smov.u32 @p2 s12  }
0x17: {  	s14 =	simm.s32 @p2 $0x0;
	p2 =	sgt.s32 s16, $0xFFF  }
0x18: {  	s16 =	smov.u32 @p2 s2;
	p2 =	sne.s32 s11, s7  }
.Ltmp1:
0x19: {  	p1 =	slt.u32 s11, $0x2;
	(pc) =	sbr.rel @!p2 .LBB1_6-.Ltmp1, $4  }
0x1a: {  	s15 =	simm.s32 @!p1 $0x2  }
0x1b: {  	s13 =	smov.u32 s10;
	p0 =	por !p0, !p0;
	_ =	swait.ge @!p1 [sflag:s15], $0x2000  }
0x1c: {  	s12 =	smov.u32 s9;
	[sflag:s15] =	ssyncset.done @!p1 $0x0;
	s9 =	smov.u32 s14  }
0x1d: {  	s11 =	sadd.s32 $0x1, s11;
	[sflag:s15] =	ssyncadd.s32 @!p1 $0xFFFFE000;
	s10 =	smov.u32 s16  }
.LBB1_1:
0x1e: {  	p1 =	sge.u32 s11, s5  }
0x1f: {  	s14 =	sand.u32 @!p1 $0x1FFFFFF, s9  }
0x20: {  	s15 =	smulhi.u32 @!p1 $0x147AE15, s14;
	_ =	sdelay $0x1  }
0x21: {  	s15 =	smul.u32 @!p1 $0xC8, s15  }
0x22: {  	s16 =	sxor.u32 @!p1 $0xFFFFFFFF, s11;
	s17 =	smul.u32 @!p1 $0xC80, s10  }
0x23: {  	s31 =	sadd.s32 $0xFFFFFFFF, s11;
	s16 =	sshll.u32 @!p1 s16, $0xD;
	s14 =	ssub.s32 @!p1 s14, s15  }
0x24: {  	s15 =	sand.u32 @!p1 $0x2000, s16;
	s16 =	sadd.s32 @!p1 s6, s17;
	s14 =	sshll.u32 @!p1 s14, $0x4  }
0x25: {  	s17 =	simm.s32 @!p1 $0x6400;
	s14 =	sadd.s32 @!p1 s14, s16;
	s16 =	simm.s32 @!p1 $0x40  }
0x26: {  	[tilespmem:s15], [sflag:$0x1] =	stream.strided.gather @!p1 [hbm4b:s14+s16], $0x2000, s17, s16, $0x38;
	[tilespmem:$0x8080] =	vst v63  }
0x27: {  	p1 =	sge.u32 s31, s5  }
.Ltmp2:
0x28: {  	_ = 	snop;
	(pc) =	sbr.rel @p1 .LBB1_5-.Ltmp2, $1  }
0x29: {  	_ =	sdelay $0x3  }
0x2a: {  	s14 =	simm.s32 $0x1  }
0x2b: {  	_ =	swait.ge [sflag:s4], $0x2000;
	s14 =	simm.s32 @!p0 $0x0  }
0x2c: {  	[sflag:s4] =	ssyncset.done $0x0;
	s15 =	sshll.u32 s14, $0xD  }
0x2d: {  	[sflag:s4] =	ssyncadd.s32 $0xFFFFE000;
	s18 =	sor.u32 $0x20, s15  }
0x2e: {  	s14 =	smul.u32 $0x8100, s14;
	v3 =	vld [tilespmem:s18+$0x10]  }
0x2f: {  	s30 =	sand.u32 $0x1, s11;
	v2 =	vld [tilespmem:s18+$0xFFFFFFF0]  }
0x30: {  	s15 =	smul.u32 $0x8100, s30;
	s14 =	sshrl.u32 s14, $0x2;
	v0 =	vld [tilespmem:s18+$0x0]  }
0x31: {  	v1 =	vld [tilespmem:s18+$0xFFFFFFE0];
	s16 =	sor.u32 $0x4000, s14  }
0x32: {  	s31 =	sshrl.u32 s15, $0x2;
	s15 =	sadd.s32 $0x0, s16  }
0x33: {  	s17 =	simm.s32 $0x4;
	s18 =	sadd.s32 $0x40, s18;
	s14 =	sor.u32 $0x4000, s31;
	[tilespmem:s15+$0x1830 ss:$0x81] =	vst.msk $0xffff, v3  }
.LBB1_3:
0x34: {  	v3 =	vld [tilespmem:s18+$0x10];
	p1 =	sne.s32 s17, $0x1FC;
	[tilespmem:s15+$0x810 ss:$0x81] =	vst.msk $0xffff, v2;
	s19 =	smov.u32 s17;
	s17 =	sadd.s32 $0x4, s17  }
.Ltmp3:
0x35: {  	v2 =	vld [tilespmem:s18+$0xFFFFFFF0];
	[tilespmem:s15+$0x1020 ss:$0x81] =	vst.msk $0xffff, v0;
	(pc) =	sbr.rel @p1 .LBB1_3-.Ltmp3, $4  }
0x36: {  	v0 =	vld [tilespmem:s18+$0x0];
	[tilespmem:s15+$0x0 ss:$0x81] =	vst.msk $0xffff, v1  }
0x37: {  	s15 =	sshra.s32 s19, $0x2;
	v1 =	vld [tilespmem:s18+$0xFFFFFFE0]  }
0x38: {  	s15 =	sadd.s32 s15, s16  }
0x39: {  	s18 =	sadd.s32 $0x40, s18;
	[tilespmem:s15+$0x1830 ss:$0x81] =	vst.msk $0xffff, v3  }
.Ltmp4:
0x3a: {  	_ = 	snop;
	(pc) =	sbr.rel .LBB1_4-.Ltmp4, $1  }
0x3b: {  	_ =	sdelay $0x3  }
.LBB1_6:
0x3c: {  	_ =	sfence.sel $0x180000  }
0x3d: {  	s2 =	simm.s32 $0x1;
	[bflag:$0x0] =	sbarrier.arrive $0xFFFF  }
0x3e: {  	s31 =	simm.s32 $0x2;
	[sflag:s2] =	ssyncpa.u1 $0x1  }
0x3f: {  	[sflag:s31] =	ssyncpa.u1 $0x1  }
0x40: {  	p0 =	sne.s32 s0, $0x0;
	_ =	strace $0x9000004A  }
0x41: {  	s0 =	sadd.s32 @!p0 $0x100000, s1;
	[bflag:$0x2] =	sbarrier.arrive $0xFFFF  }
0x42: {  	[sflag:s0] =	ssyncadd.tile.s32 @!p0 $0x1;
	_ =	shalt  }
.Lfunc_end1:
_tile_overlayer_lowered:
.L_overlay_start_2:
0x43: {  	(tag) =	ssettag $0x2  }
0x44: {  	s0 =	rddreg [dreg:$0x0];
	s2 =	stileid.u32  }
0x45: {  	s1 =	rddreg [dreg:$0x1];
	p0 =	sne.s32 s2, $0x0  }
0x46: {  	s3 =	rddreg [dreg:$0x2];
	[bflag:$0x3] =	sbarrier.arrive $0xFFFF;
	s2 =	simm.s32 @!p0 $0x1C01  }
0x47: {  	[timem:s3], [sflag:s2] =	dma.local @!p0 [hbm:s0], s1  }
0x48: {  	s0 =	simm.s32 @!p0 $0x1  }
0x49: {  	_ =	swait.ge @!p0 [sflag:s0], s1  }
0x4a: {  	s1 =	ssub.s32 @!p0 $0x0, s1;
	[sflag:s0] =	ssyncset.done @!p0 $0x0  }
0x4b: {  	[sflag:s0] =	ssyncadd.s32 @!p0 s1  }
0x4c: {  	[bflag:$0x3] =	sbarrier.arrive $0xFFFF  }
0x4d: {  	_ =	shalt  }

</sc_bundles>
